<compile_context>
chip_gen: v7x
topology: tpu7x:2x2x1
jax: 0.10.2.dev20260603
libtpu: 0.0.44.dev20260713+nightly
codegen_flags: <defaults>
</compile_context>

<pallas_src>
import functools

import jax
import jax.numpy as jnp
from jax import lax
from jax.experimental import pallas as pl
from jax.experimental.pallas import tpu as pltpu
from jax.experimental.pallas import tpu_sc as plsc

NC = 2
NS = 16
NW = NC * NS

_mesh = functools.partial(
    plsc.VectorSubcoreMesh, core_axis_name="c", subcore_axis_name="s",
    num_cores=NC, num_subcores=NS,
)


def _deg_kernel(NP, E):
    EP = E // NW

    @functools.partial(
        pl.kernel,
        out_type=(
            jax.ShapeDtypeStruct((NW, NP), jnp.float32),
            jax.ShapeDtypeStruct((NW, NP), jnp.float32),
        ),
        mesh=_mesh(),
        compiler_params=pltpu.CompilerParams(needs_layout_passes=False),
        scratch_types=[
            pltpu.VMEM((EP,), jnp.int32),
            pltpu.VMEM((EP,), jnp.int32),
            pltpu.VMEM((NP,), jnp.float32),
            pltpu.VMEM((NP,), jnp.float32),
        ],
    )
    def k(src_hbm, dst_hbm, dout_hbm, din_hbm, src_v, dst_v, dout_v, din_v):
        c = lax.axis_index("c")
        s = lax.axis_index("s")
        w = c * NS + s

        def zero(i, carry):
            dout_v[pl.ds(i * 16, 16)] = jnp.zeros((16,), jnp.float32)
            din_v[pl.ds(i * 16, 16)] = jnp.zeros((16,), jnp.float32)
            return carry

        lax.fori_loop(0, NP // 16, zero, 0)
        pltpu.sync_copy(src_hbm.at[pl.ds(w * EP, EP)], src_v)
        pltpu.sync_copy(dst_hbm.at[pl.ds(w * EP, EP)], dst_v)
        ones = jnp.ones((16,), jnp.float32)

        def body(i, carry):
            plsc.addupdate_scatter(dout_v, [src_v[pl.ds(i * 16, 16)]], ones)
            plsc.addupdate_scatter(din_v, [dst_v[pl.ds(i * 16, 16)]], ones)
            return carry

        lax.fori_loop(0, EP // 16, body, 0)
        pltpu.sync_copy(dout_v, dout_hbm.at[w])
        pltpu.sync_copy(din_v, din_hbm.at[w])

    return k


def _agg_kernel(NP, E, D, K):
    EP = E // NW
    NITER = EP // K
    RP = NP // NS

    @functools.partial(
        pl.kernel,
        out_type=jax.ShapeDtypeStruct((NC, NP, D), jnp.float32),
        mesh=_mesh(),
        scratch_types=[
            pltpu.VMEM((K,), jnp.int32),
            pltpu.VMEM((K,), jnp.int32),
            pltpu.VMEM((K, D), jnp.float32),
            pltpu.VMEM_SHARED((NP, D), jnp.float32),
            pltpu.SemaphoreType.DMA,
        ],
    )
    def k(h_hbm, src_hbm, dst_hbm, zeros_hbm, out_hbm,
          sidx, didx, rows, agg_sh, sem):
        c = lax.axis_index("c")
        s = lax.axis_index("s")
        w = c * NS + s
        pltpu.sync_copy(zeros_hbm.at[pl.ds(s * RP, RP)], agg_sh.at[pl.ds(s * RP, RP)])
        plsc.subcore_barrier()

        base = w * EP

        def body(i, carry):
            off = base + i * K
            pltpu.sync_copy(src_hbm.at[pl.ds(off, K)], sidx)
            pltpu.sync_copy(dst_hbm.at[pl.ds(off, K)], didx)
            pltpu.async_copy(h_hbm.at[sidx], rows, sem).wait()
            pltpu.sync_copy(rows, agg_sh.at[didx], add=True)
            return carry

        lax.fori_loop(0, NITER, body, 0)
        plsc.subcore_barrier()
        pltpu.sync_copy(agg_sh.at[pl.ds(s * RP, RP)], out_hbm.at[c, pl.ds(s * RP, RP)])

    return k


def _norm_from(degp_ref):
    d = lax.dot_general(degp_ref[...], jnp.ones((NW, 1), jnp.float32),
                        (((0,), (0,)), ((), ())),
                        preferred_element_type=jnp.float32)
    return lax.rsqrt(jnp.maximum(d, 1.0))


def _prescale_body(x_ref, degp_ref, o_ref):
    o_ref[...] = x_ref[...] * _norm_from(degp_ref)


def _layer_body(aggp_ref, din_ref, dout_ref, w_ref, b_ref, o_ref, *, relu_scale):
    a = aggp_ref[0] + aggp_ref[1]
    a = a * _norm_from(din_ref)
    y = jnp.dot(a, w_ref[...], preferred_element_type=jnp.float32) + b_ref[...]
    if relu_scale:
        y = jnp.maximum(y, 0.0) * _norm_from(dout_ref)
    o_ref[...] = y


def kernel(features, edge_index, W0, b0, W1, b1):
    N, D = features.shape
    H = W0.shape[1]
    E = edge_index.shape[1]
    K = 80
    NP = -(-N // (NS * 8)) * (NS * 8)

    src = edge_index[0]
    dst = edge_index[1]
    zerosD = jnp.zeros((NP, D), jnp.float32)

    deg_out_p, deg_in_p = _deg_kernel(NP, E)(src, dst)

    R = 512
    G = -(-N // R)

    prescale = pl.pallas_call(
        _prescale_body,
        grid=(G,),
        in_specs=[
            pl.BlockSpec((R, D), lambda i: (i, 0)),
            pl.BlockSpec((NW, R), lambda i: (0, i)),
        ],
        out_specs=pl.BlockSpec((R, D), lambda i: (i, 0)),
        out_shape=jax.ShapeDtypeStruct((N, D), jnp.float32),
    )
    hn0 = prescale(features, deg_out_p)

    agg = _agg_kernel(NP, E, D, K)
    agg0 = agg(hn0, src, dst, zerosD)

    def layer(aggp, W, b, relu_scale):
        return pl.pallas_call(
            functools.partial(_layer_body, relu_scale=relu_scale),
            grid=(G,),
            in_specs=[
                pl.BlockSpec((NC, R, D), lambda i: (0, i, 0)),
                pl.BlockSpec((NW, R), lambda i: (0, i)),
                pl.BlockSpec((NW, R), lambda i: (0, i)),
                pl.BlockSpec((D, H), lambda i: (0, 0)),
                pl.BlockSpec((1, H), lambda i: (0, 0)),
            ],
            out_specs=pl.BlockSpec((R, H), lambda i: (i, 0)),
            out_shape=jax.ShapeDtypeStruct((N, H), jnp.float32),
        )(aggp, deg_in_p, deg_out_p, W, b.reshape(1, H))

    h1n = layer(agg0, W0, b0, True)
    agg1 = agg(h1n, src, dst, zerosD)
    out = layer(agg1, W1, b1, False)
    return out

# --- scband reference (transcript-rebuilt; emitter-appended) ---
"""Pipeline reference for scband-encoder-33054068310371 (READ-ONLY COPY).

The authoritative reference and input builder live on the scoring server;
editing this copy changes nothing except your own understanding.
"""

import jax, jax.numpy as jnp
import numpy as np

N, E, D, H = 10000, 320000, 128, 128

def setup_inputs(seed: int = 0) -> dict:
    key = jax.random.key(seed)
    k1, k2, k3, k4, k5, k6 = jax.random.split(key, 6)
    features = jax.random.normal(k1, (N, D), dtype=jnp.float32)
    edge_index = jax.random.randint(k2, (2, E), 0, N, dtype=jnp.int32)
    # GCN parameters (DGL GraphConv-style): layer0 in_feats->n_hidden (relu), layer1 n_hidden->n_hidden
    s0 = 1.0 / np.sqrt(D)
    s1 = 1.0 / np.sqrt(H)
    W0 = jax.random.uniform(k3, (D, H), dtype=jnp.float32, minval=-s0, maxval=s0)
    b0 = jnp.zeros((H,), dtype=jnp.float32)
    W1 = jax.random.uniform(k4, (H, H), dtype=jnp.float32, minval=-s1, maxval=s1)
    b1 = jnp.zeros((H,), dtype=jnp.float32)
    return {"features": features, "edge_index": edge_index, "W0": W0, "b0": b0, "W1": W1, "b1": b1}

def reference(features, edge_index, W0, b0, W1, b1):
    # Encoder.forward(features, corrupt=False) -> GCN(features)
    # GCN: GraphConv(in, hid, relu) -> GraphConv(hid, hid); dropout=0.0 (identity)
    # GraphConv with norm='both': h' = D_in^{-1/2} A (D_out^{-1/2} h) W + b
    n = features.shape[0]
    src = edge_index[0]
    dst = edge_index[1]
    ones = jnp.ones((edge_index.shape[1],), dtype=features.dtype)
    deg_out = jnp.zeros((n,), dtype=features.dtype).at[src].add(ones)
    deg_in = jnp.zeros((n,), dtype=features.dtype).at[dst].add(ones)
    norm_out = jax.lax.rsqrt(jnp.clip(deg_out, 1.0))
    norm_in = jax.lax.rsqrt(jnp.clip(deg_in, 1.0))

    def graph_conv(h, W, b):
        h = h * norm_out[:, None]
        msg = jnp.take(h, src, axis=0)
        agg = jnp.zeros((n, h.shape[1]), dtype=h.dtype).at[dst].add(msg)
        agg = agg * norm_in[:, None]
        return agg @ W + b

    h = jax.nn.relu(graph_conv(features, W0, b0))
    h = graph_conv(h, W1, b1)
    return h

if __name__ == "__main__":
    import jax
    _d = setup_inputs()
    print(jax.jit(kernel)(*tuple(_d.values())))

</pallas_src>

<mosaic_0001>
#map = affine_map<(d0, d1) -> (0, 0)>
#map1 = affine_map<(d0, d1) -> (0)>
#map2 = affine_map<(d0, d1) -> (0, 0, 0)>
module attributes {stable_mosaic.version = 14 : i64} {
  func.func @k(%arg0: i32, %arg1: i32, %arg2: memref<10000x128xf32, #tpu.memory_space<hbm>>, %arg3: memref<320000xi32, #tpu.memory_space<hbm>>, %arg4: memref<320000xi32, #tpu.memory_space<hbm>>, %arg5: memref<10112x128xf32, #tpu.memory_space<hbm>>, %arg6: memref<2x10112x128xf32, #tpu.memory_space<hbm>>, %arg7: memref<80xi32, #tpu.memory_space<vmem>>, %arg8: memref<80xi32, #tpu.memory_space<vmem>>, %arg9: memref<80x128xf32, #tpu.memory_space<vmem>>, %arg10: memref<10112x128xf32, #tpu.memory_space<vmem_shared>>, %arg11: memref<!tpu.dma_semaphore, #tpu.memory_space<semaphore_mem>>) attributes {dimension_semantics = [#tpu.dimension_semantics<core_parallel>, #tpu.dimension_semantics<subcore_parallel>], iteration_bounds = array<i64: 2, 16>, scalar_prefetch = 0 : i64, scratch_operands = 5 : i64, tpu.core_type = #tpu.core_type<sc_vector_subcore>, window_params = [{transform_indices = #map}, {transform_indices = #map1}, {transform_indices = #map1}, {transform_indices = #map}, {transform_indices = #map2}]} {
    %mul3A = arith.constant 16 : i32
    %mul3A_0 = arith.muli %arg0, %mul3A : i32
    %add3A = arith.addi %mul3A_0, %arg1 : i32
    %mul3A_1 = arith.constant 632 : i32
    %mul3A_2 = arith.muli %arg1, %mul3A_1 : i32
    %mul3A_3 = arith.constant 632 : i32
    %mul3A_4 = arith.muli %arg1, %mul3A_3 : i32
    "tpu.region"() ({
      %run_scoped3A = tpu.sem_alloc : memref<!tpu.dma_semaphore, #tpu.memory_space<semaphore_mem>>
      %dma_start3A = arith.constant 0 : i32
      %dma_start3A_17 = tpu.memref_slice %arg10[%mul3A_4, %dma_start3A] : memref<10112x128xf32, #tpu.memory_space<vmem_shared>> -> memref<632x128xf32, #tpu.memory_space<vmem_shared>>
      %dma_start3A_18 = arith.constant 0 : i32
      %dma_start3A_19 = tpu.memref_slice %arg5[%mul3A_2, %dma_start3A_18] : memref<10112x128xf32, #tpu.memory_space<hbm>> -> memref<632x128xf32, #tpu.memory_space<hbm>>
      tpu.enqueue_dma source(%dma_start3A_19 : memref<632x128xf32, #tpu.memory_space<hbm>>) target(%dma_start3A_17 : memref<632x128xf32, #tpu.memory_space<vmem_shared>>) target_semaphore(%run_scoped3A : memref<!tpu.dma_semaphore, #tpu.memory_space<semaphore_mem>>)
      %dma_wait3A = arith.constant 0 : i32
      %dma_wait3A_20 = tpu.memref_slice %arg10[%mul3A_4, %dma_wait3A] : memref<10112x128xf32, #tpu.memory_space<vmem_shared>> -> memref<632x128xf32, #tpu.memory_space<vmem_shared>>
      %dma_wait3A_21 = arith.constant 0 : i32
      %dma_wait3A_22 = tpu.memref_slice %arg5[%mul3A_2, %dma_wait3A_21] : memref<10112x128xf32, #tpu.memory_space<hbm>> -> memref<632x128xf32, #tpu.memory_space<hbm>>
      tpu.wait_dma2 semaphore(%run_scoped3A : memref<!tpu.dma_semaphore, #tpu.memory_space<semaphore_mem>>) src(%dma_wait3A_22 : memref<632x128xf32, #tpu.memory_space<hbm>>) dst(%dma_wait3A_20 : memref<632x128xf32, #tpu.memory_space<vmem_shared>>)
      tpu.yield
    }) : () -> ()
    %barrier3A = arith.constant 0 : index
    tpu.barrier barrier_id(%barrier3A)
    %mul3A_5 = arith.constant 10000 : i32
    %mul3A_6 = arith.muli %add3A, %mul3A_5 : i32
    %scan3A = arith.constant 0 : i32
    %scan3A_7 = arith.constant 0 : i32
    %scan3A_8 = arith.constant 125 : i32
    %scan3A_9 = arith.addi %scan3A_7, %scan3A_8 : i32
    %scan3A_10 = arith.constant 1 : i32
    scf.for %scan3A_17 = %scan3A_7 to %scan3A_9 step %scan3A_10  : i32 {
      %mul3A_18 = arith.constant 80 : i32
      %mul3A_19 = arith.muli %scan3A_17, %mul3A_18 : i32
      %add3A_20 = arith.addi %mul3A_6, %mul3A_19 : i32
      "tpu.region"() ({
        %run_scoped3A = tpu.sem_alloc : memref<!tpu.dma_semaphore, #tpu.memory_space<semaphore_mem>>
        %dma_start3A_25 = tpu.memref_slice %arg3[%add3A_20] : memref<320000xi32, #tpu.memory_space<hbm>> -> memref<80xi32, #tpu.memory_space<hbm>>
        %dma_start3A_26 = tpu.memref_slice %arg3[%add3A_20] : memref<320000xi32, #tpu.memory_space<hbm>> -> memref<80xi32, #tpu.memory_space<hbm>>
        tpu.enqueue_dma source(%dma_start3A_26 : memref<80xi32, #tpu.memory_space<hbm>>) target(%arg7 : memref<80xi32, #tpu.memory_space<vmem>>) target_semaphore(%run_scoped3A : memref<!tpu.dma_semaphore, #tpu.memory_space<semaphore_mem>>)
        %dma_wait3A_27 = tpu.memref_slice %arg3[%add3A_20] : memref<320000xi32, #tpu.memory_space<hbm>> -> memref<80xi32, #tpu.memory_space<hbm>>
        %dma_wait3A_28 = tpu.memref_slice %arg3[%add3A_20] : memref<320000xi32, #tpu.memory_space<hbm>> -> memref<80xi32, #tpu.memory_space<hbm>>
        tpu.wait_dma2 semaphore(%run_scoped3A : memref<!tpu.dma_semaphore, #tpu.memory_space<semaphore_mem>>) src(%dma_wait3A_28 : memref<80xi32, #tpu.memory_space<hbm>>) dst(%arg7 : memref<80xi32, #tpu.memory_space<vmem>>)
        tpu.yield
      }) : () -> ()
      "tpu.region"() ({
        %run_scoped3A = tpu.sem_alloc : memref<!tpu.dma_semaphore, #tpu.memory_space<semaphore_mem>>
        %dma_start3A_25 = tpu.memref_slice %arg4[%add3A_20] : memref<320000xi32, #tpu.memory_space<hbm>> -> memref<80xi32, #tpu.memory_space<hbm>>
        %dma_start3A_26 = tpu.memref_slice %arg4[%add3A_20] : memref<320000xi32, #tpu.memory_space<hbm>> -> memref<80xi32, #tpu.memory_space<hbm>>
        tpu.enqueue_dma source(%dma_start3A_26 : memref<80xi32, #tpu.memory_space<hbm>>) target(%arg8 : memref<80xi32, #tpu.memory_space<vmem>>) target_semaphore(%run_scoped3A : memref<!tpu.dma_semaphore, #tpu.memory_space<semaphore_mem>>)
        %dma_wait3A_27 = tpu.memref_slice %arg4[%add3A_20] : memref<320000xi32, #tpu.memory_space<hbm>> -> memref<80xi32, #tpu.memory_space<hbm>>
        %dma_wait3A_28 = tpu.memref_slice %arg4[%add3A_20] : memref<320000xi32, #tpu.memory_space<hbm>> -> memref<80xi32, #tpu.memory_space<hbm>>
        tpu.wait_dma2 semaphore(%run_scoped3A : memref<!tpu.dma_semaphore, #tpu.memory_space<semaphore_mem>>) src(%dma_wait3A_28 : memref<80xi32, #tpu.memory_space<hbm>>) dst(%arg8 : memref<80xi32, #tpu.memory_space<vmem>>)
        tpu.yield
      }) : () -> ()
      %dma_start3A = arith.constant 0 : i32
      %dma_start3A_21 = arith.constant 0 : i32
      %dma_start3A_22 = tpu.memref_slice %arg2[%dma_start3A, %dma_start3A_21] : memref<10000x128xf32, #tpu.memory_space<hbm>> -> memref<10000x128xf32, #tpu.memory_space<hbm>>
      tpu.enqueue_indirect_dma source(%dma_start3A_22 : memref<10000x128xf32, #tpu.memory_space<hbm>>) target(%arg9 : memref<80x128xf32, #tpu.memory_space<vmem>>) offsets(%arg7 : memref<80xi32, #tpu.memory_space<vmem>>) semaphore(%arg11 : memref<!tpu.dma_semaphore, #tpu.memory_space<semaphore_mem>>)
      %dma_wait3A = arith.constant 0 : i32
      %dma_wait3A_23 = arith.constant 0 : i32
      %dma_wait3A_24 = tpu.memref_slice %arg2[%dma_wait3A, %dma_wait3A_23] : memref<10000x128xf32, #tpu.memory_space<hbm>> -> memref<10000x128xf32, #tpu.memory_space<hbm>>
      tpu.wait_indirect_dma semaphore(%arg11 : memref<!tpu.dma_semaphore, #tpu.memory_space<semaphore_mem>>) src(%dma_wait3A_24 : memref<10000x128xf32, #tpu.memory_space<hbm>>) dst(%arg9 : memref<80x128xf32, #tpu.memory_space<vmem>>)
      "tpu.region"() ({
        %run_scoped3A = tpu.sem_alloc : memref<!tpu.dma_semaphore, #tpu.memory_space<semaphore_mem>>
        %dma_start3A_25 = arith.constant 0 : i32
        %dma_start3A_26 = arith.constant 0 : i32
        %dma_start3A_27 = tpu.memref_slice %arg10[%dma_start3A_25, %dma_start3A_26] : memref<10112x128xf32, #tpu.memory_space<vmem_shared>> -> memref<10112x128xf32, #tpu.memory_space<vmem_shared>>
        tpu.enqueue_indirect_dma source(%arg9 : memref<80x128xf32, #tpu.memory_space<vmem>>) target(%dma_start3A_27 : memref<10112x128xf32, #tpu.memory_space<vmem_shared>>) offsets(%arg8 : memref<80xi32, #tpu.memory_space<vmem>>) semaphore(%run_scoped3A : memref<!tpu.dma_semaphore, #tpu.memory_space<semaphore_mem>>) {add = true}
        %dma_wait3A_28 = arith.constant 0 : i32
        %dma_wait3A_29 = arith.constant 0 : i32
        %dma_wait3A_30 = tpu.memref_slice %arg10[%dma_wait3A_28, %dma_wait3A_29] : memref<10112x128xf32, #tpu.memory_space<vmem_shared>> -> memref<10112x128xf32, #tpu.memory_space<vmem_shared>>
        tpu.wait_indirect_dma semaphore(%run_scoped3A : memref<!tpu.dma_semaphore, #tpu.memory_space<semaphore_mem>>) src(%arg9 : memref<80x128xf32, #tpu.memory_space<vmem>>) dst(%dma_wait3A_30 : memref<10112x128xf32, #tpu.memory_space<vmem_shared>>)
        tpu.yield
      }) : () -> ()
    }
    %scan3A_11 = arith.constant 125 : i32
    %barrier3A_12 = arith.constant 0 : index
    tpu.barrier barrier_id(%barrier3A_12)
    %mul3A_13 = arith.constant 632 : i32
    %mul3A_14 = arith.muli %arg1, %mul3A_13 : i32
    %mul3A_15 = arith.constant 632 : i32
    %mul3A_16 = arith.muli %arg1, %mul3A_15 : i32
    "tpu.region"() ({
      %run_scoped3A = tpu.sem_alloc : memref<!tpu.dma_semaphore, #tpu.memory_space<semaphore_mem>>
      %dma_start3A = arith.constant 0 : i32
      %dma_start3A_17 = tpu.memref_slice %arg6[%arg0, %mul3A_16, %dma_start3A] : memref<2x10112x128xf32, #tpu.memory_space<hbm>> -> memref<1x632x128xf32, #tpu.memory_space<hbm>>
      %dma_start3A_18 = tpu.memref_squeeze %dma_start3A_17 : memref<1x632x128xf32, #tpu.memory_space<hbm>> -> memref<632x128xf32, #tpu.memory_space<hbm>>
      %dma_start3A_19 = arith.constant 0 : i32
      %dma_start3A_20 = tpu.memref_slice %arg10[%mul3A_14, %dma_start3A_19] : memref<10112x128xf32, #tpu.memory_space<vmem_shared>> -> memref<632x128xf32, #tpu.memory_space<vmem_shared>>
      tpu.enqueue_dma source(%dma_start3A_20 : memref<632x128xf32, #tpu.memory_space<vmem_shared>>) target(%dma_start3A_18 : memref<632x128xf32, #tpu.memory_space<hbm>>) target_semaphore(%run_scoped3A : memref<!tpu.dma_semaphore, #tpu.memory_space<semaphore_mem>>)
      %dma_wait3A = arith.constant 0 : i32
      %dma_wait3A_21 = tpu.memref_slice %arg6[%arg0, %mul3A_16, %dma_wait3A] : memref<2x10112x128xf32, #tpu.memory_space<hbm>> -> memref<1x632x128xf32, #tpu.memory_space<hbm>>
      %dma_wait3A_22 = tpu.memref_squeeze %dma_wait3A_21 : memref<1x632x128xf32, #tpu.memory_space<hbm>> -> memref<632x128xf32, #tpu.memory_space<hbm>>
      %dma_wait3A_23 = arith.constant 0 : i32
      %dma_wait3A_24 = tpu.memref_slice %arg10[%mul3A_14, %dma_wait3A_23] : memref<10112x128xf32, #tpu.memory_space<vmem_shared>> -> memref<632x128xf32, #tpu.memory_space<vmem_shared>>
      tpu.wait_dma2 semaphore(%run_scoped3A : memref<!tpu.dma_semaphore, #tpu.memory_space<semaphore_mem>>) src(%dma_wait3A_24 : memref<632x128xf32, #tpu.memory_space<vmem_shared>>) dst(%dma_wait3A_22 : memref<632x128xf32, #tpu.memory_space<hbm>>)
      tpu.yield
    }) : () -> ()
    return
  }
}

#map = affine_map<(d0, d1) -> (0)>
#map1 = affine_map<(d0, d1) -> (0, 0)>
module attributes {stable_mosaic.version = 14 : i64} {
  func.func @k(%arg0: i32, %arg1: i32, %arg2: memref<320000xi32, #tpu.memory_space<hbm>>, %arg3: memref<320000xi32, #tpu.memory_space<hbm>>, %arg4: memref<32x10112xf32, #tpu.memory_space<hbm>>, %arg5: memref<32x10112xf32, #tpu.memory_space<hbm>>, %arg6: memref<10000xi32, #tpu.memory_space<vmem>>, %arg7: memref<10000xi32, #tpu.memory_space<vmem>>, %arg8: memref<10112xf32, #tpu.memory_space<vmem>>, %arg9: memref<10112xf32, #tpu.memory_space<vmem>>) attributes {dimension_semantics = [#tpu.dimension_semantics<core_parallel>, #tpu.dimension_semantics<subcore_parallel>], iteration_bounds = array<i64: 2, 16>, scalar_prefetch = 0 : i64, scratch_operands = 4 : i64, tpu.core_type = #tpu.core_type<sc_vector_subcore>, window_params = [{transform_indices = #map}, {transform_indices = #map}, {transform_indices = #map1}, {transform_indices = #map1}]} {
    %mul3A = arith.constant 16 : i32
    %mul3A_0 = arith.muli %arg0, %mul3A : i32
    %add3A = arith.addi %mul3A_0, %arg1 : i32
    %scan3A = arith.constant 0 : i32
    %scan3A_1 = arith.constant 0 : i32
    %scan3A_2 = arith.constant 632 : i32
    %scan3A_3 = arith.addi %scan3A_1, %scan3A_2 : i32
    %scan3A_4 = arith.constant 1 : i32
    scf.for %scan3A_17 = %scan3A_1 to %scan3A_3 step %scan3A_4  : i32 {
      %broadcast_in_dim3A_18 = arith.constant 0.000000e+00 : f32
      %broadcast_in_dim3A_19 = vector.broadcast %broadcast_in_dim3A_18 : f32 to vector<16xf32>
      %mul3A_20 = arith.constant 16 : i32
      %mul3A_21 = arith.muli %scan3A_17, %mul3A_20 : i32
      %swap3A = arith.index_cast %mul3A_21 : i32 to index
      %swap3A_22 = tpu.vector_load %arg8[%swap3A] {strides = array<i32>} : memref<10112xf32, #tpu.memory_space<vmem>>, vector<16xf32>,
      tpu.vector_store %arg8[%swap3A], %broadcast_in_dim3A_19 {strides = array<i32>} : memref<10112xf32, #tpu.memory_space<vmem>>, vector<16xf32>,
      %broadcast_in_dim3A_23 = arith.constant 0.000000e+00 : f32
      %broadcast_in_dim3A_24 = vector.broadcast %broadcast_in_dim3A_23 : f32 to vector<16xf32>
      %mul3A_25 = arith.constant 16 : i32
      %mul3A_26 = arith.muli %scan3A_17, %mul3A_25 : i32
      %swap3A_27 = arith.index_cast %mul3A_26 : i32 to index
      %swap3A_28 = tpu.vector_load %arg9[%swap3A_27] {strides = array<i32>} : memref<10112xf32, #tpu.memory_space<vmem>>, vector<16xf32>,
      tpu.vector_store %arg9[%swap3A_27], %broadcast_in_dim3A_24 {strides = array<i32>} : memref<10112xf32, #tpu.memory_space<vmem>>, vector<16xf32>,
    }
    %scan3A_5 = arith.constant 632 : i32
    %mul3A_6 = arith.constant 10000 : i32
    %mul3A_7 = arith.muli %add3A, %mul3A_6 : i32
    "tpu.region"() ({
      %run_scoped3A = tpu.sem_alloc : memref<!tpu.dma_semaphore, #tpu.memory_space<semaphore_mem>>
      %dma_start3A = tpu.memref_slice %arg2[%mul3A_7] : memref<320000xi32, #tpu.memory_space<hbm>> -> memref<10000xi32, #tpu.memory_space<hbm>>
      %dma_start3A_17 = tpu.memref_slice %arg2[%mul3A_7] : memref<320000xi32, #tpu.memory_space<hbm>> -> memref<10000xi32, #tpu.memory_space<hbm>>
      tpu.enqueue_dma source(%dma_start3A_17 : memref<10000xi32, #tpu.memory_space<hbm>>) target(%arg6 : memref<10000xi32, #tpu.memory_space<vmem>>) target_semaphore(%run_scoped3A : memref<!tpu.dma_semaphore, #tpu.memory_space<semaphore_mem>>)
      %dma_wait3A = tpu.memref_slice %arg2[%mul3A_7] : memref<320000xi32, #tpu.memory_space<hbm>> -> memref<10000xi32, #tpu.memory_space<hbm>>
      %dma_wait3A_18 = tpu.memref_slice %arg2[%mul3A_7] : memref<320000xi32, #tpu.memory_space<hbm>> -> memref<10000xi32, #tpu.memory_space<hbm>>
      tpu.wait_dma2 semaphore(%run_scoped3A : memref<!tpu.dma_semaphore, #tpu.memory_space<semaphore_mem>>) src(%dma_wait3A_18 : memref<10000xi32, #tpu.memory_space<hbm>>) dst(%arg6 : memref<10000xi32, #tpu.memory_space<vmem>>)
      tpu.yield
    }) : () -> ()
    %mul3A_8 = arith.constant 10000 : i32
    %mul3A_9 = arith.muli %add3A, %mul3A_8 : i32
    "tpu.region"() ({
      %run_scoped3A = tpu.sem_alloc : memref<!tpu.dma_semaphore, #tpu.memory_space<semaphore_mem>>
      %dma_start3A = tpu.memref_slice %arg3[%mul3A_9] : memref<320000xi32, #tpu.memory_space<hbm>> -> memref<10000xi32, #tpu.memory_space<hbm>>
      %dma_start3A_17 = tpu.memref_slice %arg3[%mul3A_9] : memref<320000xi32, #tpu.memory_space<hbm>> -> memref<10000xi32, #tpu.memory_space<hbm>>
      tpu.enqueue_dma source(%dma_start3A_17 : memref<10000xi32, #tpu.memory_space<hbm>>) target(%arg7 : memref<10000xi32, #tpu.memory_space<vmem>>) target_semaphore(%run_scoped3A : memref<!tpu.dma_semaphore, #tpu.memory_space<semaphore_mem>>)
      %dma_wait3A = tpu.memref_slice %arg3[%mul3A_9] : memref<320000xi32, #tpu.memory_space<hbm>> -> memref<10000xi32, #tpu.memory_space<hbm>>
      %dma_wait3A_18 = tpu.memref_slice %arg3[%mul3A_9] : memref<320000xi32, #tpu.memory_space<hbm>> -> memref<10000xi32, #tpu.memory_space<hbm>>
      tpu.wait_dma2 semaphore(%run_scoped3A : memref<!tpu.dma_semaphore, #tpu.memory_space<semaphore_mem>>) src(%dma_wait3A_18 : memref<10000xi32, #tpu.memory_space<hbm>>) dst(%arg7 : memref<10000xi32, #tpu.memory_space<vmem>>)
      tpu.yield
    }) : () -> ()
    %broadcast_in_dim3A = arith.constant 1.000000e+00 : f32
    %broadcast_in_dim3A_10 = vector.broadcast %broadcast_in_dim3A : f32 to vector<16xf32>
    %scan3A_11 = arith.constant 0 : i32
    %scan3A_12 = arith.constant 0 : i32
    %scan3A_13 = arith.constant 625 : i32
    %scan3A_14 = arith.addi %scan3A_12, %scan3A_13 : i32
    %scan3A_15 = arith.constant 1 : i32
    scf.for %scan3A_17 = %scan3A_12 to %scan3A_14 step %scan3A_15  : i32 {
      %mul3A_18 = arith.constant 16 : i32
      %mul3A_19 = arith.muli %scan3A_17, %mul3A_18 : i32
      %get3A = arith.index_cast %mul3A_19 : i32 to index
      %get3A_20 = tpu.vector_load %arg6[%get3A] {strides = array<i32>} : memref<10000xi32, #tpu.memory_space<vmem>>, vector<16xi32>,
      tpu.vector_store_idx %arg8[%get3A_20], %broadcast_in_dim3A_10 {add = true} : memref<10112xf32, #tpu.memory_space<vmem>>[vector<16xi32>], vector<16xf32>,
      %mul3A_21 = arith.constant 16 : i32
      %mul3A_22 = arith.muli %scan3A_17, %mul3A_21 : i32
      %get3A_23 = arith.index_cast %mul3A_22 : i32 to index
      %get3A_24 = tpu.vector_load %arg7[%get3A_23] {strides = array<i32>} : memref<10000xi32, #tpu.memory_space<vmem>>, vector<16xi32>,
      tpu.vector_store_idx %arg9[%get3A_24], %broadcast_in_dim3A_10 {add = true} : memref<10112xf32, #tpu.memory_space<vmem>>[vector<16xi32>], vector<16xf32>,
    }
    %scan3A_16 = arith.constant 625 : i32
    "tpu.region"() ({
      %run_scoped3A = tpu.sem_alloc : memref<!tpu.dma_semaphore, #tpu.memory_space<semaphore_mem>>
      %dma_start3A = arith.constant 0 : i32
      %dma_start3A_17 = tpu.memref_slice %arg4[%add3A, %dma_start3A] : memref<32x10112xf32, #tpu.memory_space<hbm>> -> memref<1x10112xf32, #tpu.memory_space<hbm>>
      %dma_start3A_18 = tpu.memref_squeeze %dma_start3A_17 : memref<1x10112xf32, #tpu.memory_space<hbm>> -> memref<10112xf32, #tpu.memory_space<hbm>>
      %dma_start3A_19 = arith.constant 0 : i32
      %dma_start3A_20 = tpu.memref_slice %arg4[%add3A, %dma_start3A_19] : memref<32x10112xf32, #tpu.memory_space<hbm>> -> memref<1x10112xf32, #tpu.memory_space<hbm>>
      %dma_start3A_21 = tpu.memref_squeeze %dma_start3A_20 : memref<1x10112xf32, #tpu.memory_space<hbm>> -> memref<10112xf32, #tpu.memory_space<hbm>>
      tpu.enqueue_dma source(%arg8 : memref<10112xf32, #tpu.memory_space<vmem>>) target(%dma_start3A_21 : memref<10112xf32, #tpu.memory_space<hbm>>) target_semaphore(%run_scoped3A : memref<!tpu.dma_semaphore, #tpu.memory_space<semaphore_mem>>)
      %dma_wait3A = arith.constant 0 : i32
      %dma_wait3A_22 = tpu.memref_slice %arg4[%add3A, %dma_wait3A] : memref<32x10112xf32, #tpu.memory_space<hbm>> -> memref<1x10112xf32, #tpu.memory_space<hbm>>
      %dma_wait3A_23 = tpu.memref_squeeze %dma_wait3A_22 : memref<1x10112xf32, #tpu.memory_space<hbm>> -> memref<10112xf32, #tpu.memory_space<hbm>>
      %dma_wait3A_24 = arith.constant 0 : i32
      %dma_wait3A_25 = tpu.memref_slice %arg4[%add3A, %dma_wait3A_24] : memref<32x10112xf32, #tpu.memory_space<hbm>> -> memref<1x10112xf32, #tpu.memory_space<hbm>>
      %dma_wait3A_26 = tpu.memref_squeeze %dma_wait3A_25 : memref<1x10112xf32, #tpu.memory_space<hbm>> -> memref<10112xf32, #tpu.memory_space<hbm>>
      tpu.wait_dma2 semaphore(%run_scoped3A : memref<!tpu.dma_semaphore, #tpu.memory_space<semaphore_mem>>) src(%arg8 : memref<10112xf32, #tpu.memory_space<vmem>>) dst(%dma_wait3A_26 : memref<10112xf32, #tpu.memory_space<hbm>>)
      tpu.yield
    }) : () -> ()
    "tpu.region"() ({
      %run_scoped3A = tpu.sem_alloc : memref<!tpu.dma_semaphore, #tpu.memory_space<semaphore_mem>>
      %dma_start3A = arith.constant 0 : i32
      %dma_start3A_17 = tpu.memref_slice %arg5[%add3A, %dma_start3A] : memref<32x10112xf32, #tpu.memory_space<hbm>> -> memref<1x10112xf32, #tpu.memory_space<hbm>>
      %dma_start3A_18 = tpu.memref_squeeze %dma_start3A_17 : memref<1x10112xf32, #tpu.memory_space<hbm>> -> memref<10112xf32, #tpu.memory_space<hbm>>
      %dma_start3A_19 = arith.constant 0 : i32
      %dma_start3A_20 = tpu.memref_slice %arg5[%add3A, %dma_start3A_19] : memref<32x10112xf32, #tpu.memory_space<hbm>> -> memref<1x10112xf32, #tpu.memory_space<hbm>>
      %dma_start3A_21 = tpu.memref_squeeze %dma_start3A_20 : memref<1x10112xf32, #tpu.memory_space<hbm>> -> memref<10112xf32, #tpu.memory_space<hbm>>
      tpu.enqueue_dma source(%arg9 : memref<10112xf32, #tpu.memory_space<vmem>>) target(%dma_start3A_21 : memref<10112xf32, #tpu.memory_space<hbm>>) target_semaphore(%run_scoped3A : memref<!tpu.dma_semaphore, #tpu.memory_space<semaphore_mem>>)
      %dma_wait3A = arith.constant 0 : i32
      %dma_wait3A_22 = tpu.memref_slice %arg5[%add3A, %dma_wait3A] : memref<32x10112xf32, #tpu.memory_space<hbm>> -> memref<1x10112xf32, #tpu.memory_space<hbm>>
      %dma_wait3A_23 = tpu.memref_squeeze %dma_wait3A_22 : memref<1x10112xf32, #tpu.memory_space<hbm>> -> memref<10112xf32, #tpu.memory_space<hbm>>
      %dma_wait3A_24 = arith.constant 0 : i32
      %dma_wait3A_25 = tpu.memref_slice %arg5[%add3A, %dma_wait3A_24] : memref<32x10112xf32, #tpu.memory_space<hbm>> -> memref<1x10112xf32, #tpu.memory_space<hbm>>
      %dma_wait3A_26 = tpu.memref_squeeze %dma_wait3A_25 : memref<1x10112xf32, #tpu.memory_space<hbm>> -> memref<10112xf32, #tpu.memory_space<hbm>>
      tpu.wait_dma2 semaphore(%run_scoped3A : memref<!tpu.dma_semaphore, #tpu.memory_space<semaphore_mem>>) src(%arg9 : memref<10112xf32, #tpu.memory_space<vmem>>) dst(%dma_wait3A_26 : memref<10112xf32, #tpu.memory_space<hbm>>)
      tpu.yield
    }) : () -> ()
    return
  }
}

#map = affine_map<(d0, d1) -> (0, 0)>
#map1 = affine_map<(d0, d1) -> (0)>
#map2 = affine_map<(d0, d1) -> (0, 0, 0)>
module attributes {stable_mosaic.version = 14 : i64} {
  func.func @k(%arg0: i32, %arg1: i32, %arg2: memref<10000x128xf32, #tpu.memory_space<hbm>>, %arg3: memref<320000xi32, #tpu.memory_space<hbm>>, %arg4: memref<320000xi32, #tpu.memory_space<hbm>>, %arg5: memref<10112x128xf32, #tpu.memory_space<hbm>>, %arg6: memref<2x10112x128xf32, #tpu.memory_space<hbm>>, %arg7: memref<80xi32, #tpu.memory_space<vmem>>, %arg8: memref<80xi32, #tpu.memory_space<vmem>>, %arg9: memref<80x128xf32, #tpu.memory_space<vmem>>, %arg10: memref<10112x128xf32, #tpu.memory_space<vmem_shared>>, %arg11: memref<!tpu.dma_semaphore, #tpu.memory_space<semaphore_mem>>) attributes {dimension_semantics = [#tpu.dimension_semantics<core_parallel>, #tpu.dimension_semantics<subcore_parallel>], iteration_bounds = array<i64: 2, 16>, scalar_prefetch = 0 : i64, scratch_operands = 5 : i64, tpu.core_type = #tpu.core_type<sc_vector_subcore>, window_params = [{transform_indices = #map}, {transform_indices = #map1}, {transform_indices = #map1}, {transform_indices = #map}, {transform_indices = #map2}]} {
    %mul3A = arith.constant 16 : i32
    %mul3A_0 = arith.muli %arg0, %mul3A : i32
    %add3A = arith.addi %mul3A_0, %arg1 : i32
    %mul3A_1 = arith.constant 632 : i32
    %mul3A_2 = arith.muli %arg1, %mul3A_1 : i32
    %mul3A_3 = arith.constant 632 : i32
    %mul3A_4 = arith.muli %arg1, %mul3A_3 : i32
    "tpu.region"() ({
      %run_scoped3A = tpu.sem_alloc : memref<!tpu.dma_semaphore, #tpu.memory_space<semaphore_mem>>
      %dma_start3A = arith.constant 0 : i32
      %dma_start3A_17 = tpu.memref_slice %arg10[%mul3A_4, %dma_start3A] : memref<10112x128xf32, #tpu.memory_space<vmem_shared>> -> memref<632x128xf32, #tpu.memory_space<vmem_shared>>
      %dma_start3A_18 = arith.constant 0 : i32
      %dma_start3A_19 = tpu.memref_slice %arg5[%mul3A_2, %dma_start3A_18] : memref<10112x128xf32, #tpu.memory_space<hbm>> -> memref<632x128xf32, #tpu.memory_space<hbm>>
      tpu.enqueue_dma source(%dma_start3A_19 : memref<632x128xf32, #tpu.memory_space<hbm>>) target(%dma_start3A_17 : memref<632x128xf32, #tpu.memory_space<vmem_shared>>) target_semaphore(%run_scoped3A : memref<!tpu.dma_semaphore, #tpu.memory_space<semaphore_mem>>)
      %dma_wait3A = arith.constant 0 : i32
      %dma_wait3A_20 = tpu.memref_slice %arg10[%mul3A_4, %dma_wait3A] : memref<10112x128xf32, #tpu.memory_space<vmem_shared>> -> memref<632x128xf32, #tpu.memory_space<vmem_shared>>
      %dma_wait3A_21 = arith.constant 0 : i32
      %dma_wait3A_22 = tpu.memref_slice %arg5[%mul3A_2, %dma_wait3A_21] : memref<10112x128xf32, #tpu.memory_space<hbm>> -> memref<632x128xf32, #tpu.memory_space<hbm>>
      tpu.wait_dma2 semaphore(%run_scoped3A : memref<!tpu.dma_semaphore, #tpu.memory_space<semaphore_mem>>) src(%dma_wait3A_22 : memref<632x128xf32, #tpu.memory_space<hbm>>) dst(%dma_wait3A_20 : memref<632x128xf32, #tpu.memory_space<vmem_shared>>)
      tpu.yield
    }) : () -> ()
    %barrier3A = arith.constant 0 : index
    tpu.barrier barrier_id(%barrier3A)
    %mul3A_5 = arith.constant 10000 : i32
    %mul3A_6 = arith.muli %add3A, %mul3A_5 : i32
    %scan3A = arith.constant 0 : i32
    %scan3A_7 = arith.constant 0 : i32
    %scan3A_8 = arith.constant 125 : i32
    %scan3A_9 = arith.addi %scan3A_7, %scan3A_8 : i32
    %scan3A_10 = arith.constant 1 : i32
    scf.for %scan3A_17 = %scan3A_7 to %scan3A_9 step %scan3A_10  : i32 {
      %mul3A_18 = arith.constant 80 : i32
      %mul3A_19 = arith.muli %scan3A_17, %mul3A_18 : i32
      %add3A_20 = arith.addi %mul3A_6, %mul3A_19 : i32
      "tpu.region"() ({
        %run_scoped3A = tpu.sem_alloc : memref<!tpu.dma_semaphore, #tpu.memory_space<semaphore_mem>>
        %dma_start3A_25 = tpu.memref_slice %arg3[%add3A_20] : memref<320000xi32, #tpu.memory_space<hbm>> -> memref<80xi32, #tpu.memory_space<hbm>>
        %dma_start3A_26 = tpu.memref_slice %arg3[%add3A_20] : memref<320000xi32, #tpu.memory_space<hbm>> -> memref<80xi32, #tpu.memory_space<hbm>>
        tpu.enqueue_dma source(%dma_start3A_26 : memref<80xi32, #tpu.memory_space<hbm>>) target(%arg7 : memref<80xi32, #tpu.memory_space<vmem>>) target_semaphore(%run_scoped3A : memref<!tpu.dma_semaphore, #tpu.memory_space<semaphore_mem>>)
        %dma_wait3A_27 = tpu.memref_slice %arg3[%add3A_20] : memref<320000xi32, #tpu.memory_space<hbm>> -> memref<80xi32, #tpu.memory_space<hbm>>
        %dma_wait3A_28 = tpu.memref_slice %arg3[%add3A_20] : memref<320000xi32, #tpu.memory_space<hbm>> -> memref<80xi32, #tpu.memory_space<hbm>>
        tpu.wait_dma2 semaphore(%run_scoped3A : memref<!tpu.dma_semaphore, #tpu.memory_space<semaphore_mem>>) src(%dma_wait3A_28 : memref<80xi32, #tpu.memory_space<hbm>>) dst(%arg7 : memref<80xi32, #tpu.memory_space<vmem>>)
        tpu.yield
      }) : () -> ()
      "tpu.region"() ({
        %run_scoped3A = tpu.sem_alloc : memref<!tpu.dma_semaphore, #tpu.memory_space<semaphore_mem>>
        %dma_start3A_25 = tpu.memref_slice %arg4[%add3A_20] : memref<320000xi32, #tpu.memory_space<hbm>> -> memref<80xi32, #tpu.memory_space<hbm>>
        %dma_start3A_26 = tpu.memref_slice %arg4[%add3A_20] : memref<320000xi32, #tpu.memory_space<hbm>> -> memref<80xi32, #tpu.memory_space<hbm>>
        tpu.enqueue_dma source(%dma_start3A_26 : memref<80xi32, #tpu.memory_space<hbm>>) target(%arg8 : memref<80xi32, #tpu.memory_space<vmem>>) target_semaphore(%run_scoped3A : memref<!tpu.dma_semaphore, #tpu.memory_space<semaphore_mem>>)
        %dma_wait3A_27 = tpu.memref_slice %arg4[%add3A_20] : memref<320000xi32, #tpu.memory_space<hbm>> -> memref<80xi32, #tpu.memory_space<hbm>>
        %dma_wait3A_28 = tpu.memref_slice %arg4[%add3A_20] : memref<320000xi32, #tpu.memory_space<hbm>> -> memref<80xi32, #tpu.memory_space<hbm>>
        tpu.wait_dma2 semaphore(%run_scoped3A : memref<!tpu.dma_semaphore, #tpu.memory_space<semaphore_mem>>) src(%dma_wait3A_28 : memref<80xi32, #tpu.memory_space<hbm>>) dst(%arg8 : memref<80xi32, #tpu.memory_space<vmem>>)
        tpu.yield
      }) : () -> ()
      %dma_start3A = arith.constant 0 : i32
      %dma_start3A_21 = arith.constant 0 : i32
      %dma_start3A_22 = tpu.memref_slice %arg2[%dma_start3A, %dma_start3A_21] : memref<10000x128xf32, #tpu.memory_space<hbm>> -> memref<10000x128xf32, #tpu.memory_space<hbm>>
      tpu.enqueue_indirect_dma source(%dma_start3A_22 : memref<10000x128xf32, #tpu.memory_space<hbm>>) target(%arg9 : memref<80x128xf32, #tpu.memory_space<vmem>>) offsets(%arg7 : memref<80xi32, #tpu.memory_space<vmem>>) semaphore(%arg11 : memref<!tpu.dma_semaphore, #tpu.memory_space<semaphore_mem>>)
      %dma_wait3A = arith.constant 0 : i32
      %dma_wait3A_23 = arith.constant 0 : i32
      %dma_wait3A_24 = tpu.memref_slice %arg2[%dma_wait3A, %dma_wait3A_23] : memref<10000x128xf32, #tpu.memory_space<hbm>> -> memref<10000x128xf32, #tpu.memory_space<hbm>>
      tpu.wait_indirect_dma semaphore(%arg11 : memref<!tpu.dma_semaphore, #tpu.memory_space<semaphore_mem>>) src(%dma_wait3A_24 : memref<10000x128xf32, #tpu.memory_space<hbm>>) dst(%arg9 : memref<80x128xf32, #tpu.memory_space<vmem>>)
      "tpu.region"() ({
        %run_scoped3A = tpu.sem_alloc : memref<!tpu.dma_semaphore, #tpu.memory_space<semaphore_mem>>
        %dma_start3A_25 = arith.constant 0 : i32
        %dma_start3A_26 = arith.constant 0 : i32
        %dma_start3A_27 = tpu.memref_slice %arg10[%dma_start3A_25, %dma_start3A_26] : memref<10112x128xf32, #tpu.memory_space<vmem_shared>> -> memref<10112x128xf32, #tpu.memory_space<vmem_shared>>
        tpu.enqueue_indirect_dma source(%arg9 : memref<80x128xf32, #tpu.memory_space<vmem>>) target(%dma_start3A_27 : memref<10112x128xf32, #tpu.memory_space<vmem_shared>>) offsets(%arg8 : memref<80xi32, #tpu.memory_space<vmem>>) semaphore(%run_scoped3A : memref<!tpu.dma_semaphore, #tpu.memory_space<semaphore_mem>>) {add = true}
        %dma_wait3A_28 = arith.constant 0 : i32
        %dma_wait3A_29 = arith.constant 0 : i32
        %dma_wait3A_30 = tpu.memref_slice %arg10[%dma_wait3A_28, %dma_wait3A_29] : memref<10112x128xf32, #tpu.memory_space<vmem_shared>> -> memref<10112x128xf32, #tpu.memory_space<vmem_shared>>
        tpu.wait_indirect_dma semaphore(%run_scoped3A : memref<!tpu.dma_semaphore, #tpu.memory_space<semaphore_mem>>) src(%arg9 : memref<80x128xf32, #tpu.memory_space<vmem>>) dst(%dma_wait3A_30 : memref<10112x128xf32, #tpu.memory_space<vmem_shared>>)
        tpu.yield
      }) : () -> ()
    }
    %scan3A_11 = arith.constant 125 : i32
    %barrier3A_12 = arith.constant 0 : index
    tpu.barrier barrier_id(%barrier3A_12)
    %mul3A_13 = arith.constant 632 : i32
    %mul3A_14 = arith.muli %arg1, %mul3A_13 : i32
    %mul3A_15 = arith.constant 632 : i32
    %mul3A_16 = arith.muli %arg1, %mul3A_15 : i32
    "tpu.region"() ({
      %run_scoped3A = tpu.sem_alloc : memref<!tpu.dma_semaphore, #tpu.memory_space<semaphore_mem>>
      %dma_start3A = arith.constant 0 : i32
      %dma_start3A_17 = tpu.memref_slice %arg6[%arg0, %mul3A_16, %dma_start3A] : memref<2x10112x128xf32, #tpu.memory_space<hbm>> -> memref<1x632x128xf32, #tpu.memory_space<hbm>>
      %dma_start3A_18 = tpu.memref_squeeze %dma_start3A_17 : memref<1x632x128xf32, #tpu.memory_space<hbm>> -> memref<632x128xf32, #tpu.memory_space<hbm>>
      %dma_start3A_19 = arith.constant 0 : i32
      %dma_start3A_20 = tpu.memref_slice %arg10[%mul3A_14, %dma_start3A_19] : memref<10112x128xf32, #tpu.memory_space<vmem_shared>> -> memref<632x128xf32, #tpu.memory_space<vmem_shared>>
      tpu.enqueue_dma source(%dma_start3A_20 : memref<632x128xf32, #tpu.memory_space<vmem_shared>>) target(%dma_start3A_18 : memref<632x128xf32, #tpu.memory_space<hbm>>) target_semaphore(%run_scoped3A : memref<!tpu.dma_semaphore, #tpu.memory_space<semaphore_mem>>)
      %dma_wait3A = arith.constant 0 : i32
      %dma_wait3A_21 = tpu.memref_slice %arg6[%arg0, %mul3A_16, %dma_wait3A] : memref<2x10112x128xf32, #tpu.memory_space<hbm>> -> memref<1x632x128xf32, #tpu.memory_space<hbm>>
      %dma_wait3A_22 = tpu.memref_squeeze %dma_wait3A_21 : memref<1x632x128xf32, #tpu.memory_space<hbm>> -> memref<632x128xf32, #tpu.memory_space<hbm>>
      %dma_wait3A_23 = arith.constant 0 : i32
      %dma_wait3A_24 = tpu.memref_slice %arg10[%mul3A_14, %dma_wait3A_23] : memref<10112x128xf32, #tpu.memory_space<vmem_shared>> -> memref<632x128xf32, #tpu.memory_space<vmem_shared>>
      tpu.wait_dma2 semaphore(%run_scoped3A : memref<!tpu.dma_semaphore, #tpu.memory_space<semaphore_mem>>) src(%dma_wait3A_24 : memref<632x128xf32, #tpu.memory_space<vmem_shared>>) dst(%dma_wait3A_22 : memref<632x128xf32, #tpu.memory_space<hbm>>)
      tpu.yield
    }) : () -> ()
    return
  }
}

module attributes {stable_mosaic.version = 14 : i64} {
  func.func @_layer_body(%arg0: i32, %arg1: memref<2x512x128xf32, #tpu.memory_space<vmem>>, %arg2: memref<32x512xf32, #tpu.memory_space<vmem>>, %arg3: memref<32x512xf32, #tpu.memory_space<vmem>>, %arg4: memref<128x128xf32, #tpu.memory_space<vmem>>, %arg5: memref<1x128xf32, #tpu.memory_space<vmem>>, %arg6: memref<512x128xf32, #tpu.memory_space<vmem>>) attributes {dimension_semantics = [#tpu.dimension_semantics<arbitrary>], iteration_bounds = array<i64: 20>, scalar_prefetch = 0 : i64, scratch_operands = 0 : i64, tpu.core_type = #tpu.core_type<tc>, window_params = [{transform_indices = @transform_0, window_bounds = array<i64: 2, 512, 128>}, {transform_indices = @transform_1, window_bounds = array<i64: 32, 512>}, {transform_indices = @transform_2, window_bounds = array<i64: 32, 512>}, {pipeline_mode = #tpu.pipeline_mode<synchronous>, transform_indices = @transform_3, window_bounds = array<i64: 128, 128>}, {pipeline_mode = #tpu.pipeline_mode<synchronous>, transform_indices = @transform_4, window_bounds = array<i64: 1, 128>}, {transform_indices = @transform_5, window_bounds = array<i64: 512, 128>}]} {
    %get3A = arith.constant 0 : index
    %get3A_0 = arith.constant 0 : index
    %get3A_1 = arith.constant 0 : index
    %get3A_2 = vector.load %arg1[%get3A, %get3A_0, %get3A_1] : memref<2x512x128xf32, #tpu.memory_space<vmem>>, vector<1x512x128xf32>
    %get3A_3 = vector.shape_cast %get3A_2 : vector<1x512x128xf32> to vector<512x128xf32>
    %get3A_4 = arith.constant 1 : index
    %get3A_5 = arith.constant 0 : index
    %get3A_6 = arith.constant 0 : index
    %get3A_7 = vector.load %arg1[%get3A_4, %get3A_5, %get3A_6] : memref<2x512x128xf32, #tpu.memory_space<vmem>>, vector<1x512x128xf32>
    %get3A_8 = vector.shape_cast %get3A_7 : vector<1x512x128xf32> to vector<512x128xf32>
    %add3A = arith.addf %get3A_3, %get3A_8 : vector<512x128xf32>
    %get3A_9 = arith.constant 0 : index
    %get3A_10 = arith.constant 0 : index
    %get3A_11 = vector.load %arg2[%get3A_9, %get3A_10] : memref<32x512xf32, #tpu.memory_space<vmem>>, vector<32x512xf32>
    %broadcast_in_dim3A = arith.constant 1.000000e+00 : f32
    %broadcast_in_dim3A_12 = vector.broadcast %broadcast_in_dim3A : f32 to vector<32x1xf32>
    %dot_general3A = arith.constant dense<0.000000e+00> : vector<512x1xf32>
    %dot_general3A_13 = tpu.matmul %get3A_11, %broadcast_in_dim3A_12, %dot_general3A {dimension_numbers = #tpu.dot_dimension_numbers<[0], [0], [1], [1], [0, 1, 1, 1], [], []>, transpose_lhs_hint = false} : vector<32x512xf32>, vector<32x1xf32>, vector<512x1xf32> -> vector<512x1xf32>
    %max3A = arith.constant 1.000000e+00 : f32
    %max3A_14 = vector.broadcast %max3A : f32 to vector<512x1xf32>
    %max3A_15 = arith.maximumf %dot_general3A_13, %max3A_14 : vector<512x1xf32>
    %rsqrt3A = math.rsqrt %max3A_15 : vector<512x1xf32>
    %mul3A = vector.broadcast %rsqrt3A : vector<512x1xf32> to vector<512x128xf32>
    %mul3A_16 = arith.mulf %add3A, %mul3A : vector<512x128xf32>
    %get3A_17 = arith.constant 0 : index
    %get3A_18 = arith.constant 0 : index
    %get3A_19 = vector.load %arg4[%get3A_17, %get3A_18] : memref<128x128xf32, #tpu.memory_space<vmem>>, vector<128x128xf32>
    %dot_general3A_20 = arith.constant dense<0.000000e+00> : vector<512x128xf32>
    %dot_general3A_21 = tpu.matmul %mul3A_16, %get3A_19, %dot_general3A_20 {dimension_numbers = #tpu.dot_dimension_numbers<[1], [0], [0], [1], [0, 0, 1, 1], [], []>, transpose_lhs_hint = false} : vector<512x128xf32>, vector<128x128xf32>, vector<512x128xf32> -> vector<512x128xf32>
    %get3A_22 = arith.constant 0 : index
    %get3A_23 = arith.constant 0 : index
    %get3A_24 = vector.load %arg5[%get3A_22, %get3A_23] : memref<1x128xf32, #tpu.memory_space<vmem>>, vector<1x128xf32>
    %add3A_25 = vector.broadcast %get3A_24 : vector<1x128xf32> to vector<512x128xf32>
    %add3A_26 = arith.addf %dot_general3A_21, %add3A_25 : vector<512x128xf32>
    %max3A_27 = arith.constant 0.000000e+00 : f32
    %max3A_28 = vector.broadcast %max3A_27 : f32 to vector<512x128xf32>
    %max3A_29 = arith.maximumf %add3A_26, %max3A_28 : vector<512x128xf32>
    %get3A_30 = arith.constant 0 : index
    %get3A_31 = arith.constant 0 : index
    %get3A_32 = vector.load %arg3[%get3A_30, %get3A_31] : memref<32x512xf32, #tpu.memory_space<vmem>>, vector<32x512xf32>
    %broadcast_in_dim3A_33 = arith.constant 1.000000e+00 : f32
    %broadcast_in_dim3A_34 = vector.broadcast %broadcast_in_dim3A_33 : f32 to vector<32x1xf32>
    %dot_general3A_35 = arith.constant dense<0.000000e+00> : vector<512x1xf32>
    %dot_general3A_36 = tpu.matmul %get3A_32, %broadcast_in_dim3A_34, %dot_general3A_35 {dimension_numbers = #tpu.dot_dimension_numbers<[0], [0], [1], [1], [0, 1, 1, 1], [], []>, transpose_lhs_hint = false} : vector<32x512xf32>, vector<32x1xf32>, vector<512x1xf32> -> vector<512x1xf32>
    %max3A_37 = arith.constant 1.000000e+00 : f32
    %max3A_38 = vector.broadcast %max3A_37 : f32 to vector<512x1xf32>
    %max3A_39 = arith.maximumf %dot_general3A_36, %max3A_38 : vector<512x1xf32>
    %rsqrt3A_40 = math.rsqrt %max3A_39 : vector<512x1xf32>
    %mul3A_41 = vector.broadcast %rsqrt3A_40 : vector<512x1xf32> to vector<512x128xf32>
    %mul3A_42 = arith.mulf %max3A_29, %mul3A_41 : vector<512x128xf32>
    %swap3A = arith.constant 0 : index
    %swap3A_43 = arith.constant 0 : index
    %swap3A_44 = vector.load %arg6[%swap3A, %swap3A_43] : memref<512x128xf32, #tpu.memory_space<vmem>>, vector<512x128xf32>
    tpu.vector_store %arg6[%swap3A, %swap3A_43], %mul3A_42 {strides = array<i32>} : memref<512x128xf32, #tpu.memory_space<vmem>>, vector<512x128xf32>,
    return
  }
  func.func @transform_0(%arg0: i32) -> (i32, i32, i32) {
    %c0_i32 = arith.constant 0 : i32
    %c0_i32_0 = arith.constant 0 : i32
    %c0_i32_1 = arith.constant 0 : i32
    return %c0_i32, %arg0, %c0_i32_0 : i32, i32, i32
  }
  func.func @transform_1(%arg0: i32) -> (i32, i32) {
    %c0_i32 = arith.constant 0 : i32
    %c0_i32_0 = arith.constant 0 : i32
    return %c0_i32, %arg0 : i32, i32
  }
  func.func @transform_2(%arg0: i32) -> (i32, i32) {
    %c0_i32 = arith.constant 0 : i32
    %c0_i32_0 = arith.constant 0 : i32
    return %c0_i32, %arg0 : i32, i32
  }
  func.func @transform_3(%arg0: i32) -> (i32, i32) {
    %c0_i32 = arith.constant 0 : i32
    %c0_i32_0 = arith.constant 0 : i32
    %c0_i32_1 = arith.constant 0 : i32
    return %c0_i32, %c0_i32_0 : i32, i32
  }
  func.func @transform_4(%arg0: i32) -> (i32, i32) {
    %c0_i32 = arith.constant 0 : i32
    %c0_i32_0 = arith.constant 0 : i32
    %c0_i32_1 = arith.constant 0 : i32
    return %c0_i32, %c0_i32_0 : i32, i32
  }
  func.func @transform_5(%arg0: i32) -> (i32, i32) {
    %c0_i32 = arith.constant 0 : i32
    %c0_i32_0 = arith.constant 0 : i32
    return %arg0, %c0_i32 : i32, i32
  }
}

module attributes {stable_mosaic.version = 14 : i64} {
  func.func @_prescale_body(%arg0: i32, %arg1: memref<512x128xf32, #tpu.memory_space<vmem>>, %arg2: memref<32x512xf32, #tpu.memory_space<vmem>>, %arg3: memref<512x128xf32, #tpu.memory_space<vmem>>) attributes {dimension_semantics = [#tpu.dimension_semantics<arbitrary>], iteration_bounds = array<i64: 20>, scalar_prefetch = 0 : i64, scratch_operands = 0 : i64, tpu.core_type = #tpu.core_type<tc>, window_params = [{transform_indices = @transform_0, window_bounds = array<i64: 512, 128>}, {transform_indices = @transform_1, window_bounds = array<i64: 32, 512>}, {transform_indices = @transform_2, window_bounds = array<i64: 512, 128>}]} {
    %get3A = arith.constant 0 : index
    %get3A_0 = arith.constant 0 : index
    %get3A_1 = vector.load %arg1[%get3A, %get3A_0] : memref<512x128xf32, #tpu.memory_space<vmem>>, vector<512x128xf32>
    %get3A_2 = arith.constant 0 : index
    %get3A_3 = arith.constant 0 : index
    %get3A_4 = vector.load %arg2[%get3A_2, %get3A_3] : memref<32x512xf32, #tpu.memory_space<vmem>>, vector<32x512xf32>
    %broadcast_in_dim3A = arith.constant 1.000000e+00 : f32
    %broadcast_in_dim3A_5 = vector.broadcast %broadcast_in_dim3A : f32 to vector<32x1xf32>
    %dot_general3A = arith.constant dense<0.000000e+00> : vector<512x1xf32>
    %dot_general3A_6 = tpu.matmul %get3A_4, %broadcast_in_dim3A_5, %dot_general3A {dimension_numbers = #tpu.dot_dimension_numbers<[0], [0], [1], [1], [0, 1, 1, 1], [], []>, transpose_lhs_hint = false} : vector<32x512xf32>, vector<32x1xf32>, vector<512x1xf32> -> vector<512x1xf32>
    %max3A = arith.constant 1.000000e+00 : f32
    %max3A_7 = vector.broadcast %max3A : f32 to vector<512x1xf32>
    %max3A_8 = arith.maximumf %dot_general3A_6, %max3A_7 : vector<512x1xf32>
    %rsqrt3A = math.rsqrt %max3A_8 : vector<512x1xf32>
    %mul3A = vector.broadcast %rsqrt3A : vector<512x1xf32> to vector<512x128xf32>
    %mul3A_9 = arith.mulf %get3A_1, %mul3A : vector<512x128xf32>
    %swap3A = arith.constant 0 : index
    %swap3A_10 = arith.constant 0 : index
    %swap3A_11 = vector.load %arg3[%swap3A, %swap3A_10] : memref<512x128xf32, #tpu.memory_space<vmem>>, vector<512x128xf32>
    tpu.vector_store %arg3[%swap3A, %swap3A_10], %mul3A_9 {strides = array<i32>} : memref<512x128xf32, #tpu.memory_space<vmem>>, vector<512x128xf32>,
    return
  }
  func.func @transform_0(%arg0: i32) -> (i32, i32) {
    %c0_i32 = arith.constant 0 : i32
    %c0_i32_0 = arith.constant 0 : i32
    return %arg0, %c0_i32 : i32, i32
  }
  func.func @transform_1(%arg0: i32) -> (i32, i32) {
    %c0_i32 = arith.constant 0 : i32
    %c0_i32_0 = arith.constant 0 : i32
    return %c0_i32, %arg0 : i32, i32
  }
  func.func @transform_2(%arg0: i32) -> (i32, i32) {
    %c0_i32 = arith.constant 0 : i32
    %c0_i32_0 = arith.constant 0 : i32
    return %arg0, %c0_i32 : i32, i32
  }
}

module attributes {stable_mosaic.version = 14 : i64} {
  func.func @_layer_body(%arg0: i32, %arg1: memref<2x512x128xf32, #tpu.memory_space<vmem>>, %arg2: memref<32x512xf32, #tpu.memory_space<vmem>>, %arg3: memref<32x512xf32, #tpu.memory_space<vmem>>, %arg4: memref<128x128xf32, #tpu.memory_space<vmem>>, %arg5: memref<1x128xf32, #tpu.memory_space<vmem>>, %arg6: memref<512x128xf32, #tpu.memory_space<vmem>>) attributes {dimension_semantics = [#tpu.dimension_semantics<arbitrary>], iteration_bounds = array<i64: 20>, scalar_prefetch = 0 : i64, scratch_operands = 0 : i64, tpu.core_type = #tpu.core_type<tc>, window_params = [{transform_indices = @transform_0, window_bounds = array<i64: 2, 512, 128>}, {transform_indices = @transform_1, window_bounds = array<i64: 32, 512>}, {transform_indices = @transform_2, window_bounds = array<i64: 32, 512>}, {pipeline_mode = #tpu.pipeline_mode<synchronous>, transform_indices = @transform_3, window_bounds = array<i64: 128, 128>}, {pipeline_mode = #tpu.pipeline_mode<synchronous>, transform_indices = @transform_4, window_bounds = array<i64: 1, 128>}, {transform_indices = @transform_5, window_bounds = array<i64: 512, 128>}]} {
    %get3A = arith.constant 0 : index
    %get3A_0 = arith.constant 0 : index
    %get3A_1 = arith.constant 0 : index
    %get3A_2 = vector.load %arg1[%get3A, %get3A_0, %get3A_1] : memref<2x512x128xf32, #tpu.memory_space<vmem>>, vector<1x512x128xf32>
    %get3A_3 = vector.shape_cast %get3A_2 : vector<1x512x128xf32> to vector<512x128xf32>
    %get3A_4 = arith.constant 1 : index
    %get3A_5 = arith.constant 0 : index
    %get3A_6 = arith.constant 0 : index
    %get3A_7 = vector.load %arg1[%get3A_4, %get3A_5, %get3A_6] : memref<2x512x128xf32, #tpu.memory_space<vmem>>, vector<1x512x128xf32>
    %get3A_8 = vector.shape_cast %get3A_7 : vector<1x512x128xf32> to vector<512x128xf32>
    %add3A = arith.addf %get3A_3, %get3A_8 : vector<512x128xf32>
    %get3A_9 = arith.constant 0 : index
    %get3A_10 = arith.constant 0 : index
    %get3A_11 = vector.load %arg2[%get3A_9, %get3A_10] : memref<32x512xf32, #tpu.memory_space<vmem>>, vector<32x512xf32>
    %broadcast_in_dim3A = arith.constant 1.000000e+00 : f32
    %broadcast_in_dim3A_12 = vector.broadcast %broadcast_in_dim3A : f32 to vector<32x1xf32>
    %dot_general3A = arith.constant dense<0.000000e+00> : vector<512x1xf32>
    %dot_general3A_13 = tpu.matmul %get3A_11, %broadcast_in_dim3A_12, %dot_general3A {dimension_numbers = #tpu.dot_dimension_numbers<[0], [0], [1], [1], [0, 1, 1, 1], [], []>, transpose_lhs_hint = false} : vector<32x512xf32>, vector<32x1xf32>, vector<512x1xf32> -> vector<512x1xf32>
    %max3A = arith.constant 1.000000e+00 : f32
    %max3A_14 = vector.broadcast %max3A : f32 to vector<512x1xf32>
    %max3A_15 = arith.maximumf %dot_general3A_13, %max3A_14 : vector<512x1xf32>
    %rsqrt3A = math.rsqrt %max3A_15 : vector<512x1xf32>
    %mul3A = vector.broadcast %rsqrt3A : vector<512x1xf32> to vector<512x128xf32>
    %mul3A_16 = arith.mulf %add3A, %mul3A : vector<512x128xf32>
    %get3A_17 = arith.constant 0 : index
    %get3A_18 = arith.constant 0 : index
    %get3A_19 = vector.load %arg4[%get3A_17, %get3A_18] : memref<128x128xf32, #tpu.memory_space<vmem>>, vector<128x128xf32>
    %dot_general3A_20 = arith.constant dense<0.000000e+00> : vector<512x128xf32>
    %dot_general3A_21 = tpu.matmul %mul3A_16, %get3A_19, %dot_general3A_20 {dimension_numbers = #tpu.dot_dimension_numbers<[1], [0], [0], [1], [0, 0, 1, 1], [], []>, transpose_lhs_hint = false} : vector<512x128xf32>, vector<128x128xf32>, vector<512x128xf32> -> vector<512x128xf32>
    %get3A_22 = arith.constant 0 : index
    %get3A_23 = arith.constant 0 : index
    %get3A_24 = vector.load %arg5[%get3A_22, %get3A_23] : memref<1x128xf32, #tpu.memory_space<vmem>>, vector<1x128xf32>
    %add3A_25 = vector.broadcast %get3A_24 : vector<1x128xf32> to vector<512x128xf32>
    %add3A_26 = arith.addf %dot_general3A_21, %add3A_25 : vector<512x128xf32>
    %swap3A = arith.constant 0 : index
    %swap3A_27 = arith.constant 0 : index
    %swap3A_28 = vector.load %arg6[%swap3A, %swap3A_27] : memref<512x128xf32, #tpu.memory_space<vmem>>, vector<512x128xf32>
    tpu.vector_store %arg6[%swap3A, %swap3A_27], %add3A_26 {strides = array<i32>} : memref<512x128xf32, #tpu.memory_space<vmem>>, vector<512x128xf32>,
    return
  }
  func.func @transform_0(%arg0: i32) -> (i32, i32, i32) {
    %c0_i32 = arith.constant 0 : i32
    %c0_i32_0 = arith.constant 0 : i32
    %c0_i32_1 = arith.constant 0 : i32
    return %c0_i32, %arg0, %c0_i32_0 : i32, i32, i32
  }
  func.func @transform_1(%arg0: i32) -> (i32, i32) {
    %c0_i32 = arith.constant 0 : i32
    %c0_i32_0 = arith.constant 0 : i32
    return %c0_i32, %arg0 : i32, i32
  }
  func.func @transform_2(%arg0: i32) -> (i32, i32) {
    %c0_i32 = arith.constant 0 : i32
    %c0_i32_0 = arith.constant 0 : i32
    return %c0_i32, %arg0 : i32, i32
  }
  func.func @transform_3(%arg0: i32) -> (i32, i32) {
    %c0_i32 = arith.constant 0 : i32
    %c0_i32_0 = arith.constant 0 : i32
    %c0_i32_1 = arith.constant 0 : i32
    return %c0_i32, %c0_i32_0 : i32, i32
  }
  func.func @transform_4(%arg0: i32) -> (i32, i32) {
    %c0_i32 = arith.constant 0 : i32
    %c0_i32_0 = arith.constant 0 : i32
    %c0_i32_1 = arith.constant 0 : i32
    return %c0_i32, %c0_i32_0 : i32, i32
  }
  func.func @transform_5(%arg0: i32) -> (i32, i32) {
    %c0_i32 = arith.constant 0 : i32
    %c0_i32_0 = arith.constant 0 : i32
    return %arg0, %c0_i32 : i32, i32
  }
}

</mosaic_0001>

<sc_bundles>
// kernel: kernel.11.cloned.1.call-start
scs
__scs_entry_jumppad:
0x0: {  	(pc) =	sbr.rel $0x88, $3  }
0x1: {  	(tag) =	ssettag $0x0;
	lr =	simm.s32 $0x1  }
0x2: {  	[smem:$0x3F9B] =	sst lr;
	_ =	strace $0xD0000000  }
0x3: {  	_ = 	snop  }
0x4: {  	_ = 	snop  }
0x5: {  	_ = 	snop  }
0x6: {  	_ = 	snop  }
0x7: {  	_ = 	snop  }
__scs_overlays_trampoline_lowered:
0x8: {  	[smem:$0x3FAA] =	sst s0  }
0x9: {  	[smem:$0x3FAB] =	sst s1  }
0xa: {  	[smem:$0x3FAC] =	sst s2  }
0xb: {  	[smem:$0x3FAD] =	sst s3  }
0xc: {  	[smem:$0x3FAE] =	sst s4  }
0xd: {  	[smem:$0x3FAF] =	sst s5  }
0xe: {  	[smem:$0x3FB0] =	sst s6  }
0xf: {  	[smem:$0x3FB1] =	sst s7  }
0x10: {  	[smem:$0x3FB2] =	sst s8  }
0x11: {  	[smem:$0x3FB3] =	sst s9;
	s0 =	simm.s32 @!p0 $0x0  }
0x12: {  	s1 =	sld [smem:$0x3F99];
	s0 =	simm.s32 @p0 $0x1  }
0x13: {  	[smem:$0x3FB4] =	sst s0;
	s0 =	simm.s32 @!p1 $0x0  }
0x14: {  	s2 =	sld [smem:$0x3F98];
	s0 =	simm.s32 @p1 $0x1  }
0x15: {  	[smem:$0x3FB5] =	sst s0;
	s0 =	simm.s32 @!p2 $0x0  }
0x16: {  	s3 =	sld [smem:$0x3FDB];
	s0 =	simm.s32 @p2 $0x1  }
0x17: {  	s4 =	simm.s32 $0x1BF5;
	[smem:$0x3FB7] =	sst s0  }
0x18: {  	s0 =	sld [smem:$0x3F9A];
	_ =	swait.ge [sflag:s4], $0x0  }
0x19: {  	s7 =	sld [smem:$0x3F9B]  }
0x1a: {  	s8 =	sadd.s32 $0xFFFFE003, lr  }
0x1b: {  	s9 =	sadd.s32 $0xFFFFFEF7, lr;
	s5 =	simm.s32 $0xFFFFFFFF;
	p2 =	slt.u32 s8, $0xFFFFF086  }
0x1c: {  	p1 =	slt.u32 s9, $0xF7A;
	s5 =	simm.s32 @!p2 $0x0  }
0x1d: {  	s5 =	simm.s32 @p1 $0x1;
	p0 =	seq.s32 s7, s2  }
0x1e: {  	s7 =	smul.u32 @!p0 $0xF7A, s2;
	p2 =	seq.s32 @!p0 s5, $0x0  }
0x1f: {  	s9 =	smul.u32 $0xF7A, s1;
	s8 =	simm.s32 @!p0 $0x1BF5;
	p2 =	por !p2, p0  }
0x20: {  	[sflag:s8] =	ssyncset.s32 @!p0 $0xFFFFF086;
	s6 =	sadd.s32 @!p0 s3, s7;
	s7 =	simm.s32 @!p0 $0x108  }
0x21: {  	s3 =	sadd.s32 s3, s9;
	s6 =	sadd.s32 @!p0 $0x88, s6;
	s7 =	simm.s32 @p2 $0x1082  }
0x22: {  	[simem:s7], [sflag:s8] =	dma.local @!p0 [hbm:s6], $0xF7A  }
0x23: {  	s9 =	sor.u32 $0xD0000000, s2;
	s6 =	simm.s32 $0x108;
	_ =	swait.ge @!p0 [sflag:s8], $0x0  }
0x24: {  	s3 =	sadd.s32 $0x88, s3;
	s6 =	simm.s32 @!p1 $0x1082;
	[sflag:s4] =	ssyncset.s32 $0xFFFFF086  }
0x25: {  	[simem:s6], [sflag:s4] =	dma.local [hbm:s3], $0xF7A  }
0x26: {  	[smem:$0x3F9B] =	sst s1;
	(tag) =	ssettag s2;
	_ =	strace s9  }
0x27: {  	s1 =	sld [smem:$0x3FAB]  }
0x28: {  	s2 =	sld [smem:$0x3FAC]  }
0x29: {  	s4 =	sld [smem:$0x3FAE]  }
0x2a: {  	p0 =	seq.s32 s5, $0x0;
	s5 =	sld [smem:$0x3FAF]  }
0x2b: {  	s6 =	sld [smem:$0x3FB0]  }
0x2c: {  	s7 =	sld [smem:$0x3FB1]  }
0x2d: {  	s3 =	simm.s32 $0x108;
	s8 =	sld [smem:$0x3FB2]  }
0x2e: {  	s3 =	simm.s32 @!p0 $0x1082;
	s9 =	sld [smem:$0x3FB3]  }
0x2f: {  	lr =	sadd.s32 s0, s3;
	s0 =	sld [smem:$0x3FAA]  }
0x30: {  	s3 =	sld [smem:$0x3FAD]  }
0x31: {  	[smem:$0x3FB6] =	sst s10  }
0x32: {  	s10 =	sld [smem:$0x3FB4];
	_ =	sdelay $0x3  }
0x33: {  	p0 =	seq.s32 s10, $0x1;
	s10 =	sld [smem:$0x3FB6];
	_ =	sdelay $0x3  }
0x34: {  	[smem:$0x3FB6] =	sst s10  }
0x35: {  	s10 =	sld [smem:$0x3FB5];
	_ =	sdelay $0x3  }
0x36: {  	p1 =	seq.s32 s10, $0x1;
	s10 =	sld [smem:$0x3FB6];
	_ =	sdelay $0x3  }
0x37: {  	[smem:$0x3FB6] =	sst s10  }
0x38: {  	s10 =	sld [smem:$0x3FB7]  }
0x39: {  	_ = 	snop;
	(pc) =	sbr.ind lr, $3  }
0x3a: {  	_ = 	snop  }
0x3b: {  	_ = 	snop  }
0x3c: {  	p2 =	seq.s32 s10, $0x1;
	s10 =	sld [smem:$0x3FB6]  }
0x3d: {  	_ =	shalt  }
0x3e: {  	_ =	shalt  }
0x3f: {  	_ =	shalt  }
0x40: {  	_ =	shalt  }
0x41: {  	_ =	shalt  }
0x42: {  	_ =	shalt  }
0x43: {  	_ =	shalt  }
0x44: {  	_ =	shalt  }
0x45: {  	_ =	shalt  }
0x46: {  	_ =	shalt  }
0x47: {  	_ =	shalt  }
0x48: {  	_ =	shalt  }
0x49: {  	_ =	shalt  }
0x4a: {  	_ =	shalt  }
0x4b: {  	_ =	shalt  }
0x4c: {  	_ =	shalt  }
0x4d: {  	_ =	shalt  }
0x4e: {  	_ =	shalt  }
0x4f: {  	_ =	shalt  }
0x50: {  	_ =	shalt  }
0x51: {  	_ =	shalt  }
0x52: {  	_ =	shalt  }
0x53: {  	_ =	shalt  }
0x54: {  	_ =	shalt  }
0x55: {  	_ =	shalt  }
0x56: {  	_ =	shalt  }
0x57: {  	_ =	shalt  }
0x58: {  	_ =	shalt  }
0x59: {  	_ =	shalt  }
0x5a: {  	_ =	shalt  }
0x5b: {  	_ =	shalt  }
0x5c: {  	_ =	shalt  }
0x5d: {  	_ =	shalt  }
0x5e: {  	_ =	shalt  }
0x5f: {  	_ =	shalt  }
0x60: {  	_ =	shalt  }
0x61: {  	_ =	shalt  }
0x62: {  	_ =	shalt  }
0x63: {  	_ =	shalt  }
0x64: {  	_ =	shalt  }
0x65: {  	_ =	shalt  }
0x66: {  	_ =	shalt  }
0x67: {  	_ =	shalt  }
0x68: {  	_ =	shalt  }
0x69: {  	_ =	shalt  }
0x6a: {  	_ =	shalt  }
0x6b: {  	_ =	shalt  }
0x6c: {  	_ =	shalt  }
0x6d: {  	_ =	shalt  }
0x6e: {  	_ =	shalt  }
0x6f: {  	_ =	shalt  }
0x70: {  	_ =	shalt  }
0x71: {  	_ =	shalt  }
0x72: {  	_ =	shalt  }
0x73: {  	_ =	shalt  }
0x74: {  	_ =	shalt  }
0x75: {  	_ =	shalt  }
0x76: {  	_ =	shalt  }
0x77: {  	_ =	shalt  }
0x78: {  	_ =	shalt  }
0x79: {  	_ =	shalt  }
0x7a: {  	_ =	shalt  }
0x7b: {  	_ =	shalt  }
0x7c: {  	_ =	shalt  }
0x7d: {  	_ =	shalt  }
0x7e: {  	_ =	shalt  }
0x7f: {  	_ =	shalt  }
0x80: {  	_ =	shalt  }
0x81: {  	_ =	shalt  }
0x82: {  	_ =	shalt  }
0x83: {  	_ =	shalt  }
0x84: {  	_ =	shalt  }
0x85: {  	_ =	shalt  }
0x86: {  	_ =	shalt  }
0x87: {  	_ =	shalt  }
.Lfunc_end0:
.L_simem_size_0:
called_computation.1_lowered:
.L_overlay_start_0:
0x88: {  	s2 =	sld [smem:$0x3FD9]  }
0x89: {  	s3 =	sld [smem:$0x3FFE];
	_ =	sdelay $0x1  }
0x8a: {  	s1 =	srdreg.scid  }
0x8b: {  	s0 =	sand.u32 $0x1, s1  }
0x8c: {  	s17 =	sshll.u32 s0, $0xA;
	s2 =	sadd.s32 s3, s2  }
0x8d: {  	s2 =	sadd.s32 s2, s17  }
0x8e: {  	[smem:$0x3FC2] =	sst s2  }
0x8f: {  	_ = 	snop  }
0x90: {  	s2 =	sld [smem:$0x3FD0];
	(tm) =	ssettm $0x1  }
0x91: {  	s18 =	sld [smem:$0x3FFB];
	_ =	sdelay $0x3  }
0x92: {  	_ =	strace s18  }
0x93: {  	s3 =	sld [smem:$0x3FFC];
	_ =	sdelay $0x3  }
0x94: {  	_ =	strace s3  }
0x95: {  	s3 =	sld [smem:$0x3FFD];
	_ =	sdelay $0x3  }
0x96: {  	_ =	strace s3  }
0x97: {  	_ =	strace $0x8FFFFFFF  }
0x98: {  	s19 =	sld [smem:$0x3FDB];
	_ =	sdelay $0x1  }
0x99: {  	s4 =	simm.s32 $_scs_section_size  }
0x9a: {  	s5 =	simm.s32 $_size__tile_overlayer_lowered;
	s6 =	simm.s32 $_tile_overlayer_lowered  }
0x9b: {  	s22 =	simm.s32 $0x1BFF;
	s21 =	sshll.u32 s6, $0x1;
	s3 =	sadd.s32 s4, s19  }
0x9c: {  	s7 =	simm.s32 $0x0;
	s20 =	sshll.u32 s5, $0x1;
	s5 =	sadd.s32 s21, s3  }
0x9d: {  	[timem:s7], [sflag:s22] =	dma.local [hbm:s5], s20  }
0x9e: {  	_ =	swait.ge [sflag:s22], s20  }
0x9f: {  	s4 =	ssub.s32 $0x0, s20;
	[sflag:s22] =	ssyncset.done $0x0  }
0xa0: {  	[sflag:s22] =	ssyncadd.s32 s4;
	_ =	sdelay $0x1  }
0xa1: {  	s23 =	simm.s32 $0x1B8B  }
0xa2: {  	_ =	swait.ge [sflag:s23], $0x1  }
0xa3: {  	[sflag:s23] =	ssyncset.done $0x0  }
0xa4: {  	s25 =	simm.s32 $0x1B8E;
	s24 =	sld [smem:$0x3FFE];
	[sflag:s23] =	ssyncadd.s32 $0xFFFFFFFF  }
0xa5: {  	s26 =	simm.s32 $execute0_lowered;
	[smem:$0x3FD2] =	sst s25  }
0xa6: {  	s5 =	sshll.u32 s26, $0x1;
	_ =	strace $0x80000049;
	[dreg:$0x1] =	wrdreg $0xFFFFFFFF  }
0xa7: {  	s28 =	simm.s32 $_size_execute0_lowered;
	s3 =	sadd.s32 s3, s5;
	[dreg:$0x0] =	wrdreg $0x0  }
0xa8: {  	s5 =	sshll.u32 s28, $0x1;
	[dreg:$0x2] =	wrdreg s3  }
0xa9: {  	[dreg:$0x3] =	wrdreg s5  }
0xaa: {  	[dreg:$0x4] =	wrdreg $0xC0  }
0xab: {  	_ =	task [dreg:s7], $0x5FFFF  }
0xac: {  	[dreg:$0x1] =	wrdreg $0xFFFFFFFF  }
0xad: {  	[dreg:$0x0] =	wrdreg $0x60  }
0xae: {  	[dreg:$0x2] =	wrdreg s2  }
0xaf: {  	[dreg:$0x3] =	wrdreg s24  }
0xb0: {  	[dreg:$0x4] =	wrdreg $0x29000  }
0xb1: {  	[dreg:$0x5] =	wrdreg $0x9  }
0xb2: {  	_ =	task.clear_ibuf [dreg:s7], $0x6FFFF;
	_ =	strace $0x90000049  }
0xb3: {  	s29 =	simm.s32 $0x9;
	_ =	strace $0x8000004B  }
0xb4: {  	_ =	swait.ge [sflag:s29], $0x1  }
0xb5: {  	[sflag:s29] =	ssyncadd.s32 $0xFFFFFFFF  }
0xb6: {  	_ =	strace $0x9000004B  }
0xb7: {  	_ =	sfence  }
0xb8: {  	s30 =	sld [smem:$0x0];
	_ =	sdelay $0x2  }
0xb9: {  	s31 =	sshll.u32 s1, $0xD;
	s1 =	sshrl.u32 s1, $0x2  }
0xba: {  	s3 =	sand.u32 $0x4000, s31;
	s1 =	sadd.s32 s1, s30  }
0xbb: {  	s0 =	sor.u32 s3, s0;
	s1 =	sshll.u32 s1, $0x11  }
0xbc: {  	s0 =	sor.u32 s1, s0  }
0xbd: {  	s0 =	sadd.s32 $0x8F2B, s0  }
0xbe: {  	[sflag:s0] =	ssyncadd.remote.s32 $0x1  }
0xbf: {  	_ =	sfence.sel $0xFFFF  }
0xc0: {  	[dreg:$0x0] =	wrdreg $0xFFFFFFFF;
	(pc) =	sbr.abs _section_cstart, $3  }
0xc1: {  	[dreg:$0x1] =	wrdreg $0xFFFFFFFF  }
0xc2: {  	_ =	task.clear_ibuf [dreg:s7], $0x2FFFF;
	_ =	strace $0x9FFFFFFF  }
0xc3: {  	(tm) =	ssettm $0x7FFFFFFF  }
tec
execute0_lowered:
.L_overlay_start_1:
0x0: {  	(tag) =	ssettag $0x1  }
0x1: {  	s1 =	rddreg [dreg:$0x0]  }
0x2: {  	s5 =	rddreg [dreg:$0x1]  }
0x3: {  	s0 =	srdreg.scid;
	s3 =	rddreg [dreg:$0x2]  }
0x4: {  	s2 =	rddreg [dreg:$0x3];
	s6 =	sand.u32 $0x1, s0  }
0x5: {  	s4 =	simm.s32 $0x0;
	s0 =	stileid.u32;
	s7 =	smul.u32 $0x27100, s6  }
0x6: {  	s13 =	simm.s32 $0x80;
	s14 =	simm.s32 $0x50;
	s8 =	smul.u32 $0x2710, s0  }
0x7: {  	s15 =	simm.s32 $0x100;
	s16 =	simm.s32 $0x1;
	s26 =	smul.u32 $0x13C00, s0  }
0x8: {  	s17 =	simm.s32 $0x0;
	[smem:$0x7FF] =	sst s4;
	s9 =	smul.u32 $0x13C000, s6  }
0x9: {  	_ =	strace $0x8000004A;
	s6 =	ssub.s32 $0x2, s6;
	s29 =	smul.u32 $0x4F000, s0  }
0xa: {  	s31 =	sshll.u32 s0, $0x6;
	s11 =	sshrl.u32 s6, $0x1;
	s7 =	sadd.s32 s8, s7  }
0xb: {  	s28 =	sshrl.u32 s26, $0x3;
	s8 =	sadd.s32 s26, s9;
	s11 =	ssub.s32 s6, s11  }
0xc: {  	s30 =	sshrl.u32 s29, $0x2;
	s6 =	sor.u32 $0x1C02, s31;
	s7 =	sshrl.u32 s7, $0x3  }
0xd: {  	s8 =	sshrl.u32 s8, $0x3;
	s10 =	sadd.s32 s7, s5;
	s7 =	sadd.s32 s28, s5  }
0xe: {  	s12 =	sadd.s32 s30, s3;
	s8 =	sadd.s32 s8, s5;
	s5 =	sadd.s32 $0x1FE00, s7  }
0xf: {  	s7 =	sadd.s32 $0x47600, s8;
	s8 =	smax.u32 s11, $0x1;
	s9 =	sadd.s32 $0x2400, s10  }
0x10: {  	s10 =	sadd.s32 $0xC200, s10;
	s11 =	sshrl.u32 s12, $0x3;
	s12 =	simm.s32 $0x2  }
.LBB2_1:
0x11: {  	[spmem:s11], [sflag:s6] =	dma.local [hbm:s5], $0x2780  }
0x12: {  	_ =	swait.ge [sflag:s12], $0x2780  }
0x13: {  	[sflag:s12] =	ssyncset.done $0x0  }
0x14: {  	[sflag:s12] =	ssyncadd.s32 $0xFFFFD880  }
0x15: {  	s18 =	sadd.s32 $0x0, s10;
	[bflag:$0x0] =	sbarrier.arrive $0xFFFF  }
0x16: {  	[tilespmem:s4], [sflag:$0x2] =	stream.linear.gather [hbm4b:s18+s4], $0x50, $0x38;
	[tilespmem:$0x16500] =	vst v63  }
0x17: {  	_ =	swait.ge [sflag:s12], $0x50  }
0x18: {  	[sflag:s12] =	ssyncset.done $0x0  }
0x19: {  	s31 =	sadd.s32 $0x0, s9;
	[sflag:s12] =	ssyncadd.s32 $0xFFFFFFB0  }
0x1a: {  	[tilespmem:s13], [sflag:$0x2] =	stream.linear.gather [hbm4b:s31+s4], $0x50, $0x38;
	[tilespmem:$0x16500] =	vst v63  }
0x1b: {  	_ =	swait.ge [sflag:s12], $0x50  }
0x1c: {  	[sflag:s12] =	ssyncset.done $0x0  }
0x1d: {  	[sflag:s12] =	ssyncadd.s32 $0xFFFFFFB0  }
0x1e: {  	[tilespmem:s15], [sflag:$0x1] =	stream.indirect.gather [hbm4b:s1+s14], $0x80, s4, s14, $0xb8;
	[tilespmem:$0x16500] =	vst v63  }
0x1f: {  	_ =	swait.ge [sflag:s16], $0x2800  }
0x20: {  	[sflag:s16] =	ssyncset.done $0x0  }
0x21: {  	[sflag:s16] =	ssyncadd.s32 $0xFFFFD800  }
0x22: {  	[spmem:s3] =	stream.indirect.scatter.add.f32 [tilespmem:s15], [sflag:$0x2], $0x80, s13, s14, $0xb8;
	[tilespmem:$0x16500] =	vst v63  }
0x23: {  	_ =	swait.ge [sflag:s12], $0x2800  }
0x24: {  	s19 =	simm.s32 $0x14;
	s18 =	simm.s32 $0xA;
	[sflag:s12] =	ssyncset.done $0x0  }
.LBB2_2:
0x25: {  	s20 =	sadd.s32 s18, s10  }
0x26: {  	[sflag:s12] =	ssyncadd.s32 $0xFFFFD800;
	s21 =	smov.u32 s19;
	s22 =	sadd.s32 $0xA, s19  }
0x27: {  	[tilespmem:s4], [sflag:$0x2] =	stream.linear.gather [hbm4b:s20+s4], $0x50, $0x38;
	[tilespmem:$0x16500] =	vst v63  }
0x28: {  	p0 =	sne.s32 s19, $0x4D8;
	_ =	swait.ge [sflag:s12], $0x50  }
0x29: {  	[sflag:s12] =	ssyncset.done $0x0  }
0x2a: {  	s19 =	sadd.s32 s18, s9;
	s18 =	smov.u32 s21;
	[sflag:s12] =	ssyncadd.s32 $0xFFFFFFB0  }
0x2b: {  	[tilespmem:s13], [sflag:$0x2] =	stream.linear.gather [hbm4b:s19+s4], $0x50, $0x38;
	[tilespmem:$0x16500] =	vst v63  }
0x2c: {  	_ =	swait.ge [sflag:s12], $0x50  }
0x2d: {  	[sflag:s12] =	ssyncset.done $0x0  }
0x2e: {  	[sflag:s12] =	ssyncadd.s32 $0xFFFFFFB0  }
0x2f: {  	[tilespmem:s15], [sflag:$0x1] =	stream.indirect.gather [hbm4b:s1+s14], $0x80, s4, s14, $0xb8;
	[tilespmem:$0x16500] =	vst v63  }
0x30: {  	_ =	swait.ge [sflag:s16], $0x2800  }
.Ltmp0:
0x31: {  	[sflag:s16] =	ssyncset.done $0x0;
	(pc) =	sbr.rel @p0 .LBB2_2-.Ltmp0, $4  }
0x32: {  	[sflag:s16] =	ssyncadd.s32 $0xFFFFD800  }
0x33: {  	[spmem:s3] =	stream.indirect.scatter.add.f32 [tilespmem:s15], [sflag:$0x2], $0x80, s13, s14, $0xb8;
	[tilespmem:$0x16500] =	vst v63  }
0x34: {  	_ =	swait.ge [sflag:s12], $0x2800  }
0x35: {  	s19 =	smov.u32 s22;
	[sflag:s12] =	ssyncset.done $0x0  }
0x36: {  	s19 =	sadd.s32 s18, s10;
	[sflag:s12] =	ssyncadd.s32 $0xFFFFD800  }
0x37: {  	[tilespmem:s4], [sflag:$0x2] =	stream.linear.gather [hbm4b:s19+s4], $0x50, $0x38;
	[tilespmem:$0x16500] =	vst v63  }
0x38: {  	_ =	swait.ge [sflag:s12], $0x50  }
0x39: {  	[sflag:s12] =	ssyncset.done $0x0  }
0x3a: {  	s31 =	sadd.s32 s18, s9;
	[sflag:s12] =	ssyncadd.s32 $0xFFFFFFB0  }
0x3b: {  	[tilespmem:s13], [sflag:$0x2] =	stream.linear.gather [hbm4b:s31+s4], $0x50, $0x38;
	[tilespmem:$0x16500] =	vst v63  }
0x3c: {  	_ =	swait.ge [sflag:s12], $0x50  }
0x3d: {  	[sflag:s12] =	ssyncset.done $0x0  }
0x3e: {  	[sflag:s12] =	ssyncadd.s32 $0xFFFFFFB0  }
0x3f: {  	[tilespmem:s15], [sflag:$0x1] =	stream.indirect.gather [hbm4b:s1+s14], $0x80, s4, s14, $0xb8;
	[tilespmem:$0x16500] =	vst v63  }
0x40: {  	_ =	swait.ge [sflag:s16], $0x2800  }
0x41: {  	[sflag:s16] =	ssyncset.done $0x0  }
0x42: {  	[sflag:s16] =	ssyncadd.s32 $0xFFFFD800  }
0x43: {  	[spmem:s3] =	stream.indirect.scatter.add.f32 [tilespmem:s15], [sflag:$0x2], $0x80, s13, s14, $0xb8;
	[tilespmem:$0x16500] =	vst v63  }
0x44: {  	_ =	swait.ge [sflag:s12], $0x2800  }
0x45: {  	s17 =	sadd.s32 $0x1, s17;
	[sflag:s12] =	ssyncset.done $0x0  }
0x46: {  	p0 =	sne.s32 s17, s8;
	[sflag:s12] =	ssyncadd.s32 $0xFFFFD800  }
.Ltmp1:
0x47: {  	[bflag:$0x0] =	sbarrier.arrive $0xFFFF;
	(pc) =	sbr.rel @p0 .LBB2_1-.Ltmp1, $4  }
0x48: {  	[hbm:s7], [sflag:s6] =	dma.local [spmem:s11], $0x2780  }
0x49: {  	_ =	swait.ge [sflag:s12], $0x2780  }
0x4a: {  	[sflag:s12] =	ssyncset.done $0x0  }
0x4b: {  	[sflag:s12] =	ssyncadd.s32 $0xFFFFD880  }
0x4c: {  	_ =	sfence.sel $0x180000  }
0x4d: {  	[bflag:$0x0] =	sbarrier.arrive $0xFFFF  }
0x4e: {  	p0 =	sne.s32 s0, $0x0;
	_ =	strace $0x9000004A  }
0x4f: {  	s0 =	sadd.s32 @!p0 $0x100000, s2;
	[bflag:$0x2] =	sbarrier.arrive $0xFFFF  }
0x50: {  	[sflag:s0] =	ssyncadd.tile.s32 @!p0 $0x1;
	_ =	shalt  }
.Lfunc_end2:
_tile_overlayer_lowered:
.L_overlay_start_2:
0x51: {  	(tag) =	ssettag $0x2  }
0x52: {  	s0 =	rddreg [dreg:$0x0];
	s2 =	stileid.u32  }
0x53: {  	s1 =	rddreg [dreg:$0x1];
	p0 =	sne.s32 s2, $0x0  }
0x54: {  	s3 =	rddreg [dreg:$0x2];
	[bflag:$0x3] =	sbarrier.arrive $0xFFFF;
	s2 =	simm.s32 @!p0 $0x1C02  }
0x55: {  	[timem:s3], [sflag:s2] =	dma.local @!p0 [hbm:s0], s1  }
0x56: {  	s0 =	simm.s32 @!p0 $0x2  }
0x57: {  	_ =	swait.ge @!p0 [sflag:s0], s1  }
0x58: {  	s1 =	ssub.s32 @!p0 $0x0, s1;
	[sflag:s0] =	ssyncset.done @!p0 $0x0  }
0x59: {  	[sflag:s0] =	ssyncadd.s32 @!p0 s1  }
0x5a: {  	[bflag:$0x3] =	sbarrier.arrive $0xFFFF  }
0x5b: {  	_ =	shalt  }

// kernel: kernel.14.cloned.1.call-start
scs
__scs_entry_jumppad:
0x0: {  	(pc) =	sbr.rel $0x88, $3  }
0x1: {  	(tag) =	ssettag $0x0;
	lr =	simm.s32 $0x1  }
0x2: {  	[smem:$0x3F9B] =	sst lr;
	_ =	strace $0xD0000000  }
0x3: {  	_ = 	snop  }
0x4: {  	_ = 	snop  }
0x5: {  	_ = 	snop  }
0x6: {  	_ = 	snop  }
0x7: {  	_ = 	snop  }
__scs_overlays_trampoline_lowered:
0x8: {  	[smem:$0x3FAA] =	sst s0  }
0x9: {  	[smem:$0x3FAB] =	sst s1  }
0xa: {  	[smem:$0x3FAC] =	sst s2  }
0xb: {  	[smem:$0x3FAD] =	sst s3  }
0xc: {  	[smem:$0x3FAE] =	sst s4  }
0xd: {  	[smem:$0x3FAF] =	sst s5  }
0xe: {  	[smem:$0x3FB0] =	sst s6  }
0xf: {  	[smem:$0x3FB1] =	sst s7  }
0x10: {  	[smem:$0x3FB2] =	sst s8  }
0x11: {  	[smem:$0x3FB3] =	sst s9;
	s0 =	simm.s32 @!p0 $0x0  }
0x12: {  	s1 =	sld [smem:$0x3F99];
	s0 =	simm.s32 @p0 $0x1  }
0x13: {  	[smem:$0x3FB4] =	sst s0;
	s0 =	simm.s32 @!p1 $0x0  }
0x14: {  	s2 =	sld [smem:$0x3F98];
	s0 =	simm.s32 @p1 $0x1  }
0x15: {  	[smem:$0x3FB5] =	sst s0;
	s0 =	simm.s32 @!p2 $0x0  }
0x16: {  	s3 =	sld [smem:$0x3FDB];
	s0 =	simm.s32 @p2 $0x1  }
0x17: {  	s4 =	simm.s32 $0x1BF5;
	[smem:$0x3FB7] =	sst s0  }
0x18: {  	s0 =	sld [smem:$0x3F9A];
	_ =	swait.ge [sflag:s4], $0x0  }
0x19: {  	s7 =	sld [smem:$0x3F9B]  }
0x1a: {  	s8 =	sadd.s32 $0xFFFFE003, lr  }
0x1b: {  	s9 =	sadd.s32 $0xFFFFFEF7, lr;
	s5 =	simm.s32 $0xFFFFFFFF;
	p2 =	slt.u32 s8, $0xFFFFF086  }
0x1c: {  	p1 =	slt.u32 s9, $0xF7A;
	s5 =	simm.s32 @!p2 $0x0  }
0x1d: {  	s5 =	simm.s32 @p1 $0x1;
	p0 =	seq.s32 s7, s2  }
0x1e: {  	s7 =	smul.u32 @!p0 $0xF7A, s2;
	p2 =	seq.s32 @!p0 s5, $0x0  }
0x1f: {  	s9 =	smul.u32 $0xF7A, s1;
	s8 =	simm.s32 @!p0 $0x1BF5;
	p2 =	por !p2, p0  }
0x20: {  	[sflag:s8] =	ssyncset.s32 @!p0 $0xFFFFF086;
	s6 =	sadd.s32 @!p0 s3, s7;
	s7 =	simm.s32 @!p0 $0x108  }
0x21: {  	s3 =	sadd.s32 s3, s9;
	s6 =	sadd.s32 @!p0 $0x88, s6;
	s7 =	simm.s32 @p2 $0x1082  }
0x22: {  	[simem:s7], [sflag:s8] =	dma.local @!p0 [hbm:s6], $0xF7A  }
0x23: {  	s9 =	sor.u32 $0xD0000000, s2;
	s6 =	simm.s32 $0x108;
	_ =	swait.ge @!p0 [sflag:s8], $0x0  }
0x24: {  	s3 =	sadd.s32 $0x88, s3;
	s6 =	simm.s32 @!p1 $0x1082;
	[sflag:s4] =	ssyncset.s32 $0xFFFFF086  }
0x25: {  	[simem:s6], [sflag:s4] =	dma.local [hbm:s3], $0xF7A  }
0x26: {  	[smem:$0x3F9B] =	sst s1;
	(tag) =	ssettag s2;
	_ =	strace s9  }
0x27: {  	s1 =	sld [smem:$0x3FAB]  }
0x28: {  	s2 =	sld [smem:$0x3FAC]  }
0x29: {  	s4 =	sld [smem:$0x3FAE]  }
0x2a: {  	p0 =	seq.s32 s5, $0x0;
	s5 =	sld [smem:$0x3FAF]  }
0x2b: {  	s6 =	sld [smem:$0x3FB0]  }
0x2c: {  	s7 =	sld [smem:$0x3FB1]  }
0x2d: {  	s3 =	simm.s32 $0x108;
	s8 =	sld [smem:$0x3FB2]  }
0x2e: {  	s3 =	simm.s32 @!p0 $0x1082;
	s9 =	sld [smem:$0x3FB3]  }
0x2f: {  	lr =	sadd.s32 s0, s3;
	s0 =	sld [smem:$0x3FAA]  }
0x30: {  	s3 =	sld [smem:$0x3FAD]  }
0x31: {  	[smem:$0x3FB6] =	sst s10  }
0x32: {  	s10 =	sld [smem:$0x3FB4];
	_ =	sdelay $0x3  }
0x33: {  	p0 =	seq.s32 s10, $0x1;
	s10 =	sld [smem:$0x3FB6];
	_ =	sdelay $0x3  }
0x34: {  	[smem:$0x3FB6] =	sst s10  }
0x35: {  	s10 =	sld [smem:$0x3FB5];
	_ =	sdelay $0x3  }
0x36: {  	p1 =	seq.s32 s10, $0x1;
	s10 =	sld [smem:$0x3FB6];
	_ =	sdelay $0x3  }
0x37: {  	[smem:$0x3FB6] =	sst s10  }
0x38: {  	s10 =	sld [smem:$0x3FB7]  }
0x39: {  	_ = 	snop;
	(pc) =	sbr.ind lr, $3  }
0x3a: {  	_ = 	snop  }
0x3b: {  	_ = 	snop  }
0x3c: {  	p2 =	seq.s32 s10, $0x1;
	s10 =	sld [smem:$0x3FB6]  }
0x3d: {  	_ =	shalt  }
0x3e: {  	_ =	shalt  }
0x3f: {  	_ =	shalt  }
0x40: {  	_ =	shalt  }
0x41: {  	_ =	shalt  }
0x42: {  	_ =	shalt  }
0x43: {  	_ =	shalt  }
0x44: {  	_ =	shalt  }
0x45: {  	_ =	shalt  }
0x46: {  	_ =	shalt  }
0x47: {  	_ =	shalt  }
0x48: {  	_ =	shalt  }
0x49: {  	_ =	shalt  }
0x4a: {  	_ =	shalt  }
0x4b: {  	_ =	shalt  }
0x4c: {  	_ =	shalt  }
0x4d: {  	_ =	shalt  }
0x4e: {  	_ =	shalt  }
0x4f: {  	_ =	shalt  }
0x50: {  	_ =	shalt  }
0x51: {  	_ =	shalt  }
0x52: {  	_ =	shalt  }
0x53: {  	_ =	shalt  }
0x54: {  	_ =	shalt  }
0x55: {  	_ =	shalt  }
0x56: {  	_ =	shalt  }
0x57: {  	_ =	shalt  }
0x58: {  	_ =	shalt  }
0x59: {  	_ =	shalt  }
0x5a: {  	_ =	shalt  }
0x5b: {  	_ =	shalt  }
0x5c: {  	_ =	shalt  }
0x5d: {  	_ =	shalt  }
0x5e: {  	_ =	shalt  }
0x5f: {  	_ =	shalt  }
0x60: {  	_ =	shalt  }
0x61: {  	_ =	shalt  }
0x62: {  	_ =	shalt  }
0x63: {  	_ =	shalt  }
0x64: {  	_ =	shalt  }
0x65: {  	_ =	shalt  }
0x66: {  	_ =	shalt  }
0x67: {  	_ =	shalt  }
0x68: {  	_ =	shalt  }
0x69: {  	_ =	shalt  }
0x6a: {  	_ =	shalt  }
0x6b: {  	_ =	shalt  }
0x6c: {  	_ =	shalt  }
0x6d: {  	_ =	shalt  }
0x6e: {  	_ =	shalt  }
0x6f: {  	_ =	shalt  }
0x70: {  	_ =	shalt  }
0x71: {  	_ =	shalt  }
0x72: {  	_ =	shalt  }
0x73: {  	_ =	shalt  }
0x74: {  	_ =	shalt  }
0x75: {  	_ =	shalt  }
0x76: {  	_ =	shalt  }
0x77: {  	_ =	shalt  }
0x78: {  	_ =	shalt  }
0x79: {  	_ =	shalt  }
0x7a: {  	_ =	shalt  }
0x7b: {  	_ =	shalt  }
0x7c: {  	_ =	shalt  }
0x7d: {  	_ =	shalt  }
0x7e: {  	_ =	shalt  }
0x7f: {  	_ =	shalt  }
0x80: {  	_ =	shalt  }
0x81: {  	_ =	shalt  }
0x82: {  	_ =	shalt  }
0x83: {  	_ =	shalt  }
0x84: {  	_ =	shalt  }
0x85: {  	_ =	shalt  }
0x86: {  	_ =	shalt  }
0x87: {  	_ =	shalt  }
.Lfunc_end0:
.L_simem_size_0:
called_computation.2_lowered:
.L_overlay_start_0:
0x88: {  	s2 =	sld [smem:$0x3FD9]  }
0x89: {  	s3 =	sld [smem:$0x3FFE];
	_ =	sdelay $0x1  }
0x8a: {  	s1 =	srdreg.scid  }
0x8b: {  	s0 =	sand.u32 $0x1, s1  }
0x8c: {  	s17 =	sshll.u32 s0, $0xA;
	s2 =	sadd.s32 s3, s2  }
0x8d: {  	s2 =	sadd.s32 s2, s17  }
0x8e: {  	[smem:$0x3FC2] =	sst s2  }
0x8f: {  	_ = 	snop  }
0x90: {  	s2 =	sld [smem:$0x3FD0];
	(tm) =	ssettm $0x1  }
0x91: {  	s18 =	sld [smem:$0x3FFB];
	_ =	sdelay $0x3  }
0x92: {  	_ =	strace s18  }
0x93: {  	s3 =	sld [smem:$0x3FFC];
	_ =	sdelay $0x3  }
0x94: {  	_ =	strace s3  }
0x95: {  	s3 =	sld [smem:$0x3FFD];
	_ =	sdelay $0x3  }
0x96: {  	_ =	strace s3  }
0x97: {  	_ =	strace $0x8FFFFFFF  }
0x98: {  	s19 =	sld [smem:$0x3FDB];
	_ =	sdelay $0x1  }
0x99: {  	s4 =	simm.s32 $_scs_section_size  }
0x9a: {  	s5 =	simm.s32 $_size__tile_overlayer_lowered;
	s6 =	simm.s32 $_tile_overlayer_lowered  }
0x9b: {  	s22 =	simm.s32 $0x1BFF;
	s21 =	sshll.u32 s6, $0x1;
	s3 =	sadd.s32 s4, s19  }
0x9c: {  	s7 =	simm.s32 $0x0;
	s20 =	sshll.u32 s5, $0x1;
	s5 =	sadd.s32 s21, s3  }
0x9d: {  	[timem:s7], [sflag:s22] =	dma.local [hbm:s5], s20  }
0x9e: {  	_ =	swait.ge [sflag:s22], s20  }
0x9f: {  	s4 =	ssub.s32 $0x0, s20;
	[sflag:s22] =	ssyncset.done $0x0  }
0xa0: {  	[sflag:s22] =	ssyncadd.s32 s4;
	_ =	sdelay $0x1  }
0xa1: {  	s23 =	simm.s32 $0x1B8B  }
0xa2: {  	_ =	swait.ge [sflag:s23], $0x1  }
0xa3: {  	[sflag:s23] =	ssyncset.done $0x0  }
0xa4: {  	s25 =	simm.s32 $0x1B8E;
	s24 =	sld [smem:$0x3FFE];
	[sflag:s23] =	ssyncadd.s32 $0xFFFFFFFF  }
0xa5: {  	s26 =	simm.s32 $execute0_lowered;
	[smem:$0x3FD2] =	sst s25  }
0xa6: {  	s5 =	sshll.u32 s26, $0x1;
	_ =	strace $0x8000004C;
	[dreg:$0x1] =	wrdreg $0xFFFFFFFF  }
0xa7: {  	s28 =	simm.s32 $_size_execute0_lowered;
	s3 =	sadd.s32 s3, s5;
	[dreg:$0x0] =	wrdreg $0x0  }
0xa8: {  	s5 =	sshll.u32 s28, $0x1;
	[dreg:$0x2] =	wrdreg s3  }
0xa9: {  	[dreg:$0x3] =	wrdreg s5  }
0xaa: {  	[dreg:$0x4] =	wrdreg $0xC0  }
0xab: {  	_ =	task [dreg:s7], $0x5FFFF  }
0xac: {  	[dreg:$0x1] =	wrdreg $0xFFFFFFFF  }
0xad: {  	[dreg:$0x0] =	wrdreg $0x60  }
0xae: {  	[dreg:$0x2] =	wrdreg s2  }
0xaf: {  	[dreg:$0x3] =	wrdreg s24  }
0xb0: {  	[dreg:$0x4] =	wrdreg $0x29000  }
0xb1: {  	[dreg:$0x5] =	wrdreg $0x9  }
0xb2: {  	_ =	task.clear_ibuf [dreg:s7], $0x6FFFF;
	_ =	strace $0x9000004C  }
0xb3: {  	s29 =	simm.s32 $0x9;
	_ =	strace $0x8000004E  }
0xb4: {  	_ =	swait.ge [sflag:s29], $0x1  }
0xb5: {  	[sflag:s29] =	ssyncadd.s32 $0xFFFFFFFF  }
0xb6: {  	_ =	strace $0x9000004E  }
0xb7: {  	_ =	sfence  }
0xb8: {  	s30 =	sld [smem:$0x0];
	_ =	sdelay $0x2  }
0xb9: {  	s31 =	sshll.u32 s1, $0xD;
	s1 =	sshrl.u32 s1, $0x2  }
0xba: {  	s3 =	sand.u32 $0x4000, s31;
	s1 =	sadd.s32 s1, s30  }
0xbb: {  	s0 =	sor.u32 s3, s0;
	s1 =	sshll.u32 s1, $0x11  }
0xbc: {  	s0 =	sor.u32 s1, s0  }
0xbd: {  	s0 =	sadd.s32 $0x8F2B, s0  }
0xbe: {  	[sflag:s0] =	ssyncadd.remote.s32 $0x1  }
0xbf: {  	_ =	sfence.sel $0xFFFF  }
0xc0: {  	[dreg:$0x0] =	wrdreg $0xFFFFFFFF;
	(pc) =	sbr.abs _section_cstart, $3  }
0xc1: {  	[dreg:$0x1] =	wrdreg $0xFFFFFFFF  }
0xc2: {  	_ =	task.clear_ibuf [dreg:s7], $0x2FFFF;
	_ =	strace $0x9FFFFFFF  }
0xc3: {  	(tm) =	ssettm $0x7FFFFFFF  }
tec
execute0_lowered:
.L_overlay_start_1:
0x0: {  	(tag) =	ssettag $0x1  }
0x1: {  	s1 =	rddreg [dreg:$0x0]  }
0x2: {  	s5 =	rddreg [dreg:$0x1]  }
0x3: {  	s0 =	srdreg.scid;
	s3 =	rddreg [dreg:$0x2]  }
0x4: {  	s2 =	rddreg [dreg:$0x3];
	s6 =	sand.u32 $0x1, s0  }
0x5: {  	s4 =	simm.s32 $0x0;
	s0 =	stileid.u32;
	s7 =	smul.u32 $0x27100, s6  }
0x6: {  	s13 =	simm.s32 $0x80;
	s14 =	simm.s32 $0x50;
	s8 =	smul.u32 $0x2710, s0  }
0x7: {  	s15 =	simm.s32 $0x100;
	s16 =	simm.s32 $0x1;
	s26 =	smul.u32 $0x13C00, s0  }
0x8: {  	s17 =	simm.s32 $0x0;
	[smem:$0x7FF] =	sst s4;
	s9 =	smul.u32 $0x13C000, s6  }
0x9: {  	_ =	strace $0x8000004D;
	s6 =	ssub.s32 $0x2, s6;
	s29 =	smul.u32 $0x4F000, s0  }
0xa: {  	s31 =	sshll.u32 s0, $0x6;
	s11 =	sshrl.u32 s6, $0x1;
	s7 =	sadd.s32 s8, s7  }
0xb: {  	s28 =	sshrl.u32 s26, $0x3;
	s8 =	sadd.s32 s26, s9;
	s11 =	ssub.s32 s6, s11  }
0xc: {  	s30 =	sshrl.u32 s29, $0x2;
	s6 =	sor.u32 $0x1C02, s31;
	s7 =	sshrl.u32 s7, $0x3  }
0xd: {  	s8 =	sshrl.u32 s8, $0x3;
	s10 =	sadd.s32 s7, s5;
	s7 =	sadd.s32 s28, s5  }
0xe: {  	s12 =	sadd.s32 s30, s3;
	s8 =	sadd.s32 s8, s5;
	s5 =	sadd.s32 $0x1FE00, s7  }
0xf: {  	s7 =	sadd.s32 $0x47600, s8;
	s8 =	smax.u32 s11, $0x1;
	s9 =	sadd.s32 $0x2400, s10  }
0x10: {  	s10 =	sadd.s32 $0xC200, s10;
	s11 =	sshrl.u32 s12, $0x3;
	s12 =	simm.s32 $0x2  }
.LBB2_1:
0x11: {  	[spmem:s11], [sflag:s6] =	dma.local [hbm:s5], $0x2780  }
0x12: {  	_ =	swait.ge [sflag:s12], $0x2780  }
0x13: {  	[sflag:s12] =	ssyncset.done $0x0  }
0x14: {  	[sflag:s12] =	ssyncadd.s32 $0xFFFFD880  }
0x15: {  	s18 =	sadd.s32 $0x0, s10;
	[bflag:$0x0] =	sbarrier.arrive $0xFFFF  }
0x16: {  	[tilespmem:s4], [sflag:$0x2] =	stream.linear.gather [hbm4b:s18+s4], $0x50, $0x38;
	[tilespmem:$0x16500] =	vst v63  }
0x17: {  	_ =	swait.ge [sflag:s12], $0x50  }
0x18: {  	[sflag:s12] =	ssyncset.done $0x0  }
0x19: {  	s31 =	sadd.s32 $0x0, s9;
	[sflag:s12] =	ssyncadd.s32 $0xFFFFFFB0  }
0x1a: {  	[tilespmem:s13], [sflag:$0x2] =	stream.linear.gather [hbm4b:s31+s4], $0x50, $0x38;
	[tilespmem:$0x16500] =	vst v63  }
0x1b: {  	_ =	swait.ge [sflag:s12], $0x50  }
0x1c: {  	[sflag:s12] =	ssyncset.done $0x0  }
0x1d: {  	[sflag:s12] =	ssyncadd.s32 $0xFFFFFFB0  }
0x1e: {  	[tilespmem:s15], [sflag:$0x1] =	stream.indirect.gather [hbm4b:s1+s14], $0x80, s4, s14, $0xb8;
	[tilespmem:$0x16500] =	vst v63  }
0x1f: {  	_ =	swait.ge [sflag:s16], $0x2800  }
0x20: {  	[sflag:s16] =	ssyncset.done $0x0  }
0x21: {  	[sflag:s16] =	ssyncadd.s32 $0xFFFFD800  }
0x22: {  	[spmem:s3] =	stream.indirect.scatter.add.f32 [tilespmem:s15], [sflag:$0x2], $0x80, s13, s14, $0xb8;
	[tilespmem:$0x16500] =	vst v63  }
0x23: {  	_ =	swait.ge [sflag:s12], $0x2800  }
0x24: {  	s19 =	simm.s32 $0x14;
	s18 =	simm.s32 $0xA;
	[sflag:s12] =	ssyncset.done $0x0  }
.LBB2_2:
0x25: {  	s20 =	sadd.s32 s18, s10  }
0x26: {  	[sflag:s12] =	ssyncadd.s32 $0xFFFFD800;
	s21 =	smov.u32 s19;
	s22 =	sadd.s32 $0xA, s19  }
0x27: {  	[tilespmem:s4], [sflag:$0x2] =	stream.linear.gather [hbm4b:s20+s4], $0x50, $0x38;
	[tilespmem:$0x16500] =	vst v63  }
0x28: {  	p0 =	sne.s32 s19, $0x4D8;
	_ =	swait.ge [sflag:s12], $0x50  }
0x29: {  	[sflag:s12] =	ssyncset.done $0x0  }
0x2a: {  	s19 =	sadd.s32 s18, s9;
	s18 =	smov.u32 s21;
	[sflag:s12] =	ssyncadd.s32 $0xFFFFFFB0  }
0x2b: {  	[tilespmem:s13], [sflag:$0x2] =	stream.linear.gather [hbm4b:s19+s4], $0x50, $0x38;
	[tilespmem:$0x16500] =	vst v63  }
0x2c: {  	_ =	swait.ge [sflag:s12], $0x50  }
0x2d: {  	[sflag:s12] =	ssyncset.done $0x0  }
0x2e: {  	[sflag:s12] =	ssyncadd.s32 $0xFFFFFFB0  }
0x2f: {  	[tilespmem:s15], [sflag:$0x1] =	stream.indirect.gather [hbm4b:s1+s14], $0x80, s4, s14, $0xb8;
	[tilespmem:$0x16500] =	vst v63  }
0x30: {  	_ =	swait.ge [sflag:s16], $0x2800  }
.Ltmp0:
0x31: {  	[sflag:s16] =	ssyncset.done $0x0;
	(pc) =	sbr.rel @p0 .LBB2_2-.Ltmp0, $4  }
0x32: {  	[sflag:s16] =	ssyncadd.s32 $0xFFFFD800  }
0x33: {  	[spmem:s3] =	stream.indirect.scatter.add.f32 [tilespmem:s15], [sflag:$0x2], $0x80, s13, s14, $0xb8;
	[tilespmem:$0x16500] =	vst v63  }
0x34: {  	_ =	swait.ge [sflag:s12], $0x2800  }
0x35: {  	s19 =	smov.u32 s22;
	[sflag:s12] =	ssyncset.done $0x0  }
0x36: {  	s19 =	sadd.s32 s18, s10;
	[sflag:s12] =	ssyncadd.s32 $0xFFFFD800  }
0x37: {  	[tilespmem:s4], [sflag:$0x2] =	stream.linear.gather [hbm4b:s19+s4], $0x50, $0x38;
	[tilespmem:$0x16500] =	vst v63  }
0x38: {  	_ =	swait.ge [sflag:s12], $0x50  }
0x39: {  	[sflag:s12] =	ssyncset.done $0x0  }
0x3a: {  	s31 =	sadd.s32 s18, s9;
	[sflag:s12] =	ssyncadd.s32 $0xFFFFFFB0  }
0x3b: {  	[tilespmem:s13], [sflag:$0x2] =	stream.linear.gather [hbm4b:s31+s4], $0x50, $0x38;
	[tilespmem:$0x16500] =	vst v63  }
0x3c: {  	_ =	swait.ge [sflag:s12], $0x50  }
0x3d: {  	[sflag:s12] =	ssyncset.done $0x0  }
0x3e: {  	[sflag:s12] =	ssyncadd.s32 $0xFFFFFFB0  }
0x3f: {  	[tilespmem:s15], [sflag:$0x1] =	stream.indirect.gather [hbm4b:s1+s14], $0x80, s4, s14, $0xb8;
	[tilespmem:$0x16500] =	vst v63  }
0x40: {  	_ =	swait.ge [sflag:s16], $0x2800  }
0x41: {  	[sflag:s16] =	ssyncset.done $0x0  }
0x42: {  	[sflag:s16] =	ssyncadd.s32 $0xFFFFD800  }
0x43: {  	[spmem:s3] =	stream.indirect.scatter.add.f32 [tilespmem:s15], [sflag:$0x2], $0x80, s13, s14, $0xb8;
	[tilespmem:$0x16500] =	vst v63  }
0x44: {  	_ =	swait.ge [sflag:s12], $0x2800  }
0x45: {  	s17 =	sadd.s32 $0x1, s17;
	[sflag:s12] =	ssyncset.done $0x0  }
0x46: {  	p0 =	sne.s32 s17, s8;
	[sflag:s12] =	ssyncadd.s32 $0xFFFFD800  }
.Ltmp1:
0x47: {  	[bflag:$0x0] =	sbarrier.arrive $0xFFFF;
	(pc) =	sbr.rel @p0 .LBB2_1-.Ltmp1, $4  }
0x48: {  	[hbm:s7], [sflag:s6] =	dma.local [spmem:s11], $0x2780  }
0x49: {  	_ =	swait.ge [sflag:s12], $0x2780  }
0x4a: {  	[sflag:s12] =	ssyncset.done $0x0  }
0x4b: {  	[sflag:s12] =	ssyncadd.s32 $0xFFFFD880  }
0x4c: {  	_ =	sfence.sel $0x180000  }
0x4d: {  	[bflag:$0x0] =	sbarrier.arrive $0xFFFF  }
0x4e: {  	p0 =	sne.s32 s0, $0x0;
	_ =	strace $0x9000004D  }
0x4f: {  	s0 =	sadd.s32 @!p0 $0x100000, s2;
	[bflag:$0x2] =	sbarrier.arrive $0xFFFF  }
0x50: {  	[sflag:s0] =	ssyncadd.tile.s32 @!p0 $0x1;
	_ =	shalt  }
.Lfunc_end2:
_tile_overlayer_lowered:
.L_overlay_start_2:
0x51: {  	(tag) =	ssettag $0x2  }
0x52: {  	s0 =	rddreg [dreg:$0x0];
	s2 =	stileid.u32  }
0x53: {  	s1 =	rddreg [dreg:$0x1];
	p0 =	sne.s32 s2, $0x0  }
0x54: {  	s3 =	rddreg [dreg:$0x2];
	[bflag:$0x3] =	sbarrier.arrive $0xFFFF;
	s2 =	simm.s32 @!p0 $0x1C02  }
0x55: {  	[timem:s3], [sflag:s2] =	dma.local @!p0 [hbm:s0], s1  }
0x56: {  	s0 =	simm.s32 @!p0 $0x2  }
0x57: {  	_ =	swait.ge @!p0 [sflag:s0], s1  }
0x58: {  	s1 =	ssub.s32 @!p0 $0x0, s1;
	[sflag:s0] =	ssyncset.done @!p0 $0x0  }
0x59: {  	[sflag:s0] =	ssyncadd.s32 @!p0 s1  }
0x5a: {  	[bflag:$0x3] =	sbarrier.arrive $0xFFFF  }
0x5b: {  	_ =	shalt  }

// kernel: kernel.8.cloned.1.call-start
scs
__scs_entry_jumppad:
0x0: {  	(pc) =	sbr.rel $0x88, $3  }
0x1: {  	(tag) =	ssettag $0x0;
	lr =	simm.s32 $0x1  }
0x2: {  	[smem:$0x3F9B] =	sst lr;
	_ =	strace $0xD0000000  }
0x3: {  	_ = 	snop  }
0x4: {  	_ = 	snop  }
0x5: {  	_ = 	snop  }
0x6: {  	_ = 	snop  }
0x7: {  	_ = 	snop  }
__scs_overlays_trampoline_lowered:
0x8: {  	[smem:$0x3FAA] =	sst s0  }
0x9: {  	[smem:$0x3FAB] =	sst s1  }
0xa: {  	[smem:$0x3FAC] =	sst s2  }
0xb: {  	[smem:$0x3FAD] =	sst s3  }
0xc: {  	[smem:$0x3FAE] =	sst s4  }
0xd: {  	[smem:$0x3FAF] =	sst s5  }
0xe: {  	[smem:$0x3FB0] =	sst s6  }
0xf: {  	[smem:$0x3FB1] =	sst s7  }
0x10: {  	[smem:$0x3FB2] =	sst s8  }
0x11: {  	[smem:$0x3FB3] =	sst s9;
	s0 =	simm.s32 @!p0 $0x0  }
0x12: {  	s1 =	sld [smem:$0x3F99];
	s0 =	simm.s32 @p0 $0x1  }
0x13: {  	[smem:$0x3FB4] =	sst s0;
	s0 =	simm.s32 @!p1 $0x0  }
0x14: {  	s2 =	sld [smem:$0x3F98];
	s0 =	simm.s32 @p1 $0x1  }
0x15: {  	[smem:$0x3FB5] =	sst s0;
	s0 =	simm.s32 @!p2 $0x0  }
0x16: {  	s3 =	sld [smem:$0x3FDB];
	s0 =	simm.s32 @p2 $0x1  }
0x17: {  	s4 =	simm.s32 $0x1BF5;
	[smem:$0x3FB7] =	sst s0  }
0x18: {  	s0 =	sld [smem:$0x3F9A];
	_ =	swait.ge [sflag:s4], $0x0  }
0x19: {  	s7 =	sld [smem:$0x3F9B]  }
0x1a: {  	s8 =	sadd.s32 $0xFFFFE003, lr  }
0x1b: {  	s9 =	sadd.s32 $0xFFFFFEF7, lr;
	s5 =	simm.s32 $0xFFFFFFFF;
	p2 =	slt.u32 s8, $0xFFFFF086  }
0x1c: {  	p1 =	slt.u32 s9, $0xF7A;
	s5 =	simm.s32 @!p2 $0x0  }
0x1d: {  	s5 =	simm.s32 @p1 $0x1;
	p0 =	seq.s32 s7, s2  }
0x1e: {  	s7 =	smul.u32 @!p0 $0xF7A, s2;
	p2 =	seq.s32 @!p0 s5, $0x0  }
0x1f: {  	s9 =	smul.u32 $0xF7A, s1;
	s8 =	simm.s32 @!p0 $0x1BF5;
	p2 =	por !p2, p0  }
0x20: {  	[sflag:s8] =	ssyncset.s32 @!p0 $0xFFFFF086;
	s6 =	sadd.s32 @!p0 s3, s7;
	s7 =	simm.s32 @!p0 $0x108  }
0x21: {  	s3 =	sadd.s32 s3, s9;
	s6 =	sadd.s32 @!p0 $0x88, s6;
	s7 =	simm.s32 @p2 $0x1082  }
0x22: {  	[simem:s7], [sflag:s8] =	dma.local @!p0 [hbm:s6], $0xF7A  }
0x23: {  	s9 =	sor.u32 $0xD0000000, s2;
	s6 =	simm.s32 $0x108;
	_ =	swait.ge @!p0 [sflag:s8], $0x0  }
0x24: {  	s3 =	sadd.s32 $0x88, s3;
	s6 =	simm.s32 @!p1 $0x1082;
	[sflag:s4] =	ssyncset.s32 $0xFFFFF086  }
0x25: {  	[simem:s6], [sflag:s4] =	dma.local [hbm:s3], $0xF7A  }
0x26: {  	[smem:$0x3F9B] =	sst s1;
	(tag) =	ssettag s2;
	_ =	strace s9  }
0x27: {  	s1 =	sld [smem:$0x3FAB]  }
0x28: {  	s2 =	sld [smem:$0x3FAC]  }
0x29: {  	s4 =	sld [smem:$0x3FAE]  }
0x2a: {  	p0 =	seq.s32 s5, $0x0;
	s5 =	sld [smem:$0x3FAF]  }
0x2b: {  	s6 =	sld [smem:$0x3FB0]  }
0x2c: {  	s7 =	sld [smem:$0x3FB1]  }
0x2d: {  	s3 =	simm.s32 $0x108;
	s8 =	sld [smem:$0x3FB2]  }
0x2e: {  	s3 =	simm.s32 @!p0 $0x1082;
	s9 =	sld [smem:$0x3FB3]  }
0x2f: {  	lr =	sadd.s32 s0, s3;
	s0 =	sld [smem:$0x3FAA]  }
0x30: {  	s3 =	sld [smem:$0x3FAD]  }
0x31: {  	[smem:$0x3FB6] =	sst s10  }
0x32: {  	s10 =	sld [smem:$0x3FB4];
	_ =	sdelay $0x3  }
0x33: {  	p0 =	seq.s32 s10, $0x1;
	s10 =	sld [smem:$0x3FB6];
	_ =	sdelay $0x3  }
0x34: {  	[smem:$0x3FB6] =	sst s10  }
0x35: {  	s10 =	sld [smem:$0x3FB5];
	_ =	sdelay $0x3  }
0x36: {  	p1 =	seq.s32 s10, $0x1;
	s10 =	sld [smem:$0x3FB6];
	_ =	sdelay $0x3  }
0x37: {  	[smem:$0x3FB6] =	sst s10  }
0x38: {  	s10 =	sld [smem:$0x3FB7]  }
0x39: {  	_ = 	snop;
	(pc) =	sbr.ind lr, $3  }
0x3a: {  	_ = 	snop  }
0x3b: {  	_ = 	snop  }
0x3c: {  	p2 =	seq.s32 s10, $0x1;
	s10 =	sld [smem:$0x3FB6]  }
0x3d: {  	_ =	shalt  }
0x3e: {  	_ =	shalt  }
0x3f: {  	_ =	shalt  }
0x40: {  	_ =	shalt  }
0x41: {  	_ =	shalt  }
0x42: {  	_ =	shalt  }
0x43: {  	_ =	shalt  }
0x44: {  	_ =	shalt  }
0x45: {  	_ =	shalt  }
0x46: {  	_ =	shalt  }
0x47: {  	_ =	shalt  }
0x48: {  	_ =	shalt  }
0x49: {  	_ =	shalt  }
0x4a: {  	_ =	shalt  }
0x4b: {  	_ =	shalt  }
0x4c: {  	_ =	shalt  }
0x4d: {  	_ =	shalt  }
0x4e: {  	_ =	shalt  }
0x4f: {  	_ =	shalt  }
0x50: {  	_ =	shalt  }
0x51: {  	_ =	shalt  }
0x52: {  	_ =	shalt  }
0x53: {  	_ =	shalt  }
0x54: {  	_ =	shalt  }
0x55: {  	_ =	shalt  }
0x56: {  	_ =	shalt  }
0x57: {  	_ =	shalt  }
0x58: {  	_ =	shalt  }
0x59: {  	_ =	shalt  }
0x5a: {  	_ =	shalt  }
0x5b: {  	_ =	shalt  }
0x5c: {  	_ =	shalt  }
0x5d: {  	_ =	shalt  }
0x5e: {  	_ =	shalt  }
0x5f: {  	_ =	shalt  }
0x60: {  	_ =	shalt  }
0x61: {  	_ =	shalt  }
0x62: {  	_ =	shalt  }
0x63: {  	_ =	shalt  }
0x64: {  	_ =	shalt  }
0x65: {  	_ =	shalt  }
0x66: {  	_ =	shalt  }
0x67: {  	_ =	shalt  }
0x68: {  	_ =	shalt  }
0x69: {  	_ =	shalt  }
0x6a: {  	_ =	shalt  }
0x6b: {  	_ =	shalt  }
0x6c: {  	_ =	shalt  }
0x6d: {  	_ =	shalt  }
0x6e: {  	_ =	shalt  }
0x6f: {  	_ =	shalt  }
0x70: {  	_ =	shalt  }
0x71: {  	_ =	shalt  }
0x72: {  	_ =	shalt  }
0x73: {  	_ =	shalt  }
0x74: {  	_ =	shalt  }
0x75: {  	_ =	shalt  }
0x76: {  	_ =	shalt  }
0x77: {  	_ =	shalt  }
0x78: {  	_ =	shalt  }
0x79: {  	_ =	shalt  }
0x7a: {  	_ =	shalt  }
0x7b: {  	_ =	shalt  }
0x7c: {  	_ =	shalt  }
0x7d: {  	_ =	shalt  }
0x7e: {  	_ =	shalt  }
0x7f: {  	_ =	shalt  }
0x80: {  	_ =	shalt  }
0x81: {  	_ =	shalt  }
0x82: {  	_ =	shalt  }
0x83: {  	_ =	shalt  }
0x84: {  	_ =	shalt  }
0x85: {  	_ =	shalt  }
0x86: {  	_ =	shalt  }
0x87: {  	_ =	shalt  }
.Lfunc_end0:
.L_simem_size_0:
called_computation_lowered:
.L_overlay_start_0:
0x88: {  	s2 =	sld [smem:$0x3FD9]  }
0x89: {  	s3 =	sld [smem:$0x3FFE];
	_ =	sdelay $0x1  }
0x8a: {  	s1 =	srdreg.scid  }
0x8b: {  	s0 =	sand.u32 $0x1, s1  }
0x8c: {  	s17 =	sshll.u32 s0, $0xA;
	s2 =	sadd.s32 s3, s2  }
0x8d: {  	s2 =	sadd.s32 s2, s17  }
0x8e: {  	[smem:$0x3FC2] =	sst s2  }
0x8f: {  	_ = 	snop  }
0x90: {  	s2 =	sld [smem:$0x3FD0];
	(tm) =	ssettm $0x1  }
0x91: {  	s18 =	sld [smem:$0x3FFB];
	_ =	sdelay $0x3  }
0x92: {  	_ =	strace s18  }
0x93: {  	s3 =	sld [smem:$0x3FFC];
	_ =	sdelay $0x3  }
0x94: {  	_ =	strace s3  }
0x95: {  	s3 =	sld [smem:$0x3FFD];
	_ =	sdelay $0x3  }
0x96: {  	_ =	strace s3  }
0x97: {  	_ =	strace $0x8FFFFFFF  }
0x98: {  	s19 =	sld [smem:$0x3FDB];
	_ =	sdelay $0x1  }
0x99: {  	s4 =	simm.s32 $_scs_section_size  }
0x9a: {  	s5 =	simm.s32 $_size__tile_overlayer_lowered;
	s6 =	simm.s32 $_tile_overlayer_lowered  }
0x9b: {  	s22 =	simm.s32 $0x1BFF;
	s21 =	sshll.u32 s6, $0x1;
	s3 =	sadd.s32 s4, s19  }
0x9c: {  	s7 =	simm.s32 $0x0;
	s20 =	sshll.u32 s5, $0x1;
	s5 =	sadd.s32 s21, s3  }
0x9d: {  	[timem:s7], [sflag:s22] =	dma.local [hbm:s5], s20  }
0x9e: {  	_ =	swait.ge [sflag:s22], s20  }
0x9f: {  	s4 =	ssub.s32 $0x0, s20;
	[sflag:s22] =	ssyncset.done $0x0  }
0xa0: {  	[sflag:s22] =	ssyncadd.s32 s4;
	_ =	sdelay $0x1  }
0xa1: {  	s23 =	simm.s32 $0x1B8B  }
0xa2: {  	_ =	swait.ge [sflag:s23], $0x1  }
0xa3: {  	[sflag:s23] =	ssyncset.done $0x0  }
0xa4: {  	s25 =	simm.s32 $0x1B8E;
	s24 =	sld [smem:$0x3FFE];
	[sflag:s23] =	ssyncadd.s32 $0xFFFFFFFF  }
0xa5: {  	s26 =	simm.s32 $execute0_lowered;
	[smem:$0x3FD2] =	sst s25  }
0xa6: {  	s5 =	sshll.u32 s26, $0x1;
	_ =	strace $0x80000046;
	[dreg:$0x1] =	wrdreg $0xFFFFFFFF  }
0xa7: {  	s28 =	simm.s32 $_size_execute0_lowered;
	s3 =	sadd.s32 s3, s5;
	[dreg:$0x0] =	wrdreg $0x0  }
0xa8: {  	s5 =	sshll.u32 s28, $0x1;
	[dreg:$0x2] =	wrdreg s3  }
0xa9: {  	[dreg:$0x3] =	wrdreg s5  }
0xaa: {  	[dreg:$0x4] =	wrdreg $0xC0  }
0xab: {  	_ =	task [dreg:s7], $0x5FFFF  }
0xac: {  	[dreg:$0x1] =	wrdreg $0xFFFFFFFF  }
0xad: {  	[dreg:$0x0] =	wrdreg $0x60  }
0xae: {  	[dreg:$0x2] =	wrdreg s24  }
0xaf: {  	[dreg:$0x3] =	wrdreg s2  }
0xb0: {  	[dreg:$0x4] =	wrdreg $0x9  }
0xb1: {  	_ =	task.clear_ibuf [dreg:s7], $0x5FFFF;
	_ =	strace $0x90000046  }
0xb2: {  	s29 =	simm.s32 $0x9;
	_ =	strace $0x80000048  }
0xb3: {  	_ =	swait.ge [sflag:s29], $0x1  }
0xb4: {  	[sflag:s29] =	ssyncadd.s32 $0xFFFFFFFF  }
0xb5: {  	_ =	strace $0x90000048  }
0xb6: {  	_ =	sfence  }
0xb7: {  	s30 =	sld [smem:$0x0];
	_ =	sdelay $0x2  }
0xb8: {  	s31 =	sshll.u32 s1, $0xD;
	s1 =	sshrl.u32 s1, $0x2  }
0xb9: {  	s3 =	sand.u32 $0x4000, s31;
	s1 =	sadd.s32 s1, s30  }
0xba: {  	s0 =	sor.u32 s3, s0;
	s1 =	sshll.u32 s1, $0x11  }
0xbb: {  	s0 =	sor.u32 s1, s0  }
0xbc: {  	s0 =	sadd.s32 $0x8F2B, s0  }
0xbd: {  	[sflag:s0] =	ssyncadd.remote.s32 $0x1  }
0xbe: {  	_ =	sfence.sel $0xFFFF  }
0xbf: {  	[dreg:$0x0] =	wrdreg $0xFFFFFFFF;
	(pc) =	sbr.abs _section_cstart, $3  }
0xc0: {  	[dreg:$0x1] =	wrdreg $0xFFFFFFFF  }
0xc1: {  	_ =	task.clear_ibuf [dreg:s7], $0x2FFFF;
	_ =	strace $0x9FFFFFFF  }
0xc2: {  	(tm) =	ssettm $0x7FFFFFFF  }
0xc3: {  	_ =	shalt  }
tec
execute0_lowered:
.L_overlay_start_1:
0x0: {  	(tag) =	ssettag $0x1  }
0x1: {  	s5 =	rddreg [dreg:$0x0]  }
0x2: {  	s0 =	srdreg.scid;
	s6 =	rddreg [dreg:$0x1];
	s2 =	simm.s32 $0x0  }
0x3: {  	s10 =	simm.s32 $0x4F00;
	s11 =	simm.s32 $0x7680;
	s3 =	sand.u32 $0x1, s0  }
0x4: {  	s12 =	simm.s32 $0x80;
	s0 =	stileid.u32;
	s1 =	sshll.u32 s3, $0x4  }
0x5: {  	s13 =	simm.s32 $0x400;
	[smem:$0x7FF] =	sst s2;
	s4 =	sor.u32 s0, s1  }
0x6: {  	s3 =	ssub.s32 $0x2, s3;
	s1 =	sshrl.u32 s4, $0x3;
	s4 =	smul.u32 $0x4E2, s4  }
0x7: {  	s8 =	sshll.u32 s0, $0x7;
	s31 =	sshrl.u32 s3, $0x1;
	s7 =	smul.u32 $0x13C00, s1  }
0x8: {  	s8 =	sand.u32 $0x380, s8;
	s9 =	ssub.s32 s3, s31;
	s1 =	rddreg [dreg:$0x2]  }
0x9: {  	_ =	strace $0x80000047;
	s4 =	sadd.s32 s4, s5;
	s7 =	sor.u32 s8, s7  }
0xa: {  	s3 =	sadd.s32 $0xC200, s4;
	s4 =	sadd.s32 $0x2400, s4;
	s7 =	sshrl.u32 s7, $0x3  }
0xb: {  	s8 =	simm.s32 $0x1;
	s30 =	sadd.s32 s7, s5;
	s5 =	sadd.s32 s6, s7  }
0xc: {  	v0 =	vimm.f32 $0.0e+00;
	v1 =	vimm.f32 $1.000000000e+00;
	s7 =	smax.u32 s9, $0x1;
	s9 =	simm.s32 $0x2780;
	s6 =	sadd.s32 $0x16000, s30  }
.LBB2_1:
0xd: {  	s14 =	simm.s32 $0x40;
	s15 =	simm.s32 $0x0  }
.LBB2_2:
0xe: {  	p0 =	sne.s32 s14, $0x9DC0;
	[tilespmem:s15+$0x4F00] =	vst v0;
	s16 =	smov.u32 s14;
	s14 =	sadd.s32 $0x40, s14  }
.Ltmp0:
0xf: {  	[tilespmem:s15+$0x7680] =	vst v0;
	(pc) =	sbr.rel @p0 .LBB2_2-.Ltmp0, $2  }
0x10: {  	_ =	sdelay $0x2  }
0x11: {  	s15 =	sshra.s32 s16, $0x2  }
0x12: {  	[tilespmem:s15+$0x4F00] =	vst v0  }
0x13: {  	[tilespmem:s15+$0x7680] =	vst v0;
	s14 =	simm.s32 $0x0  }
0x14: {  	[tilespmem:s14], [sflag:$0x1] =	stream.linear.gather [hbm4b:s3+s14], $0x2710, $0x38;
	[tilespmem:$0x9E00] =	vst v63  }
0x15: {  	_ =	swait.ge [sflag:s8], $0x2710  }
0x16: {  	[sflag:s8] =	ssyncset.done $0x0  }
0x17: {  	[sflag:s8] =	ssyncadd.s32 $0xFFFFD8F0  }
0x18: {  	[tilespmem:s9], [sflag:$0x1] =	stream.linear.gather [hbm4b:s4+s14], $0x2710, $0x38;
	[tilespmem:$0x9E00] =	vst v63  }
0x19: {  	_ =	swait.ge [sflag:s8], $0x2710  }
0x1a: {  	[sflag:s8] =	ssyncset.done $0x0  }
0x1b: {  	s15 =	simm.s32 $0x0;
	s14 =	simm.s32 $0x40;
	[sflag:s8] =	ssyncadd.s32 $0xFFFFD8F0  }
.LBB2_4:
0x1c: {  	p0 =	sne.s32 s14, $0x9C00;
	v2 =	vld [tilespmem:s15+$0x0];
	_ =	sdelay $0x7  }
0x1d: {  	[tilespmem:v2+s10+$0x0] =	vst.idx.add.f32.msk $0xffff, v1  }
0x1e: {  	v2 =	vld [tilespmem:s15+$0x2780];
	_ =	sdelay $0x3  }
.Ltmp1:
0x1f: {  	(pc) =	sbr.rel @p0 .LBB2_4-.Ltmp1, $2  }
0x20: {  	_ =	sdelay $0x2  }
0x21: {  	s15 =	sshra.s32 s14, $0x2;
	s14 =	sadd.s32 $0x40, s14;
	[tilespmem:v2+s11+$0x0] =	vst.idx.add.f32.msk $0xffff, v1  }
0x22: {  	v2 =	vld [tilespmem:s15+$0x0];
	_ =	sdelay $0x7  }
0x23: {  	[tilespmem:v2+s10+$0x0] =	vst.idx.add.f32.msk $0xffff, v1  }
0x24: {  	v2 =	vld [tilespmem:s15+$0x2780];
	_ =	sdelay $0x7  }
0x25: {  	[tilespmem:v2+s11+$0x0] =	vst.idx.add.f32.msk $0xffff, v1  }
0x26: {  	[hbm4b:s5+s12] =	stream.strided.scatter [tilespmem:s10], [sflag:$0x1], $0x2780, s13, s12, $0x38;
	[tilespmem:$0x9E00] =	vst v63  }
0x27: {  	s2 =	sadd.s32 $0x1, s2;
	_ =	swait.ge [sflag:s8], $0x2780  }
0x28: {  	p0 =	sne.s32 s2, s7;
	[sflag:s8] =	ssyncset.done $0x0  }
.Ltmp2:
0x29: {  	[sflag:s8] =	ssyncadd.s32 $0xFFFFD880;
	(pc) =	sbr.rel @p0 .LBB2_1-.Ltmp2, $4  }
0x2a: {  	[hbm4b:s6+s12] =	stream.strided.scatter [tilespmem:s11], [sflag:$0x1], $0x2780, s13, s12, $0x38;
	[tilespmem:$0x9E00] =	vst v63  }
0x2b: {  	_ =	swait.ge [sflag:s8], $0x2780  }
0x2c: {  	[sflag:s8] =	ssyncset.done $0x0  }
0x2d: {  	[sflag:s8] =	ssyncadd.s32 $0xFFFFD880  }
0x2e: {  	_ =	sfence.sel $0x180000  }
0x2f: {  	[bflag:$0x0] =	sbarrier.arrive $0xFFFF  }
0x30: {  	p0 =	sne.s32 s0, $0x0;
	_ =	strace $0x90000047  }
0x31: {  	s0 =	sadd.s32 @!p0 $0x100000, s1;
	[bflag:$0x2] =	sbarrier.arrive $0xFFFF  }
0x32: {  	[sflag:s0] =	ssyncadd.tile.s32 @!p0 $0x1;
	_ =	shalt  }
.Lfunc_end2:
_tile_overlayer_lowered:
.L_overlay_start_2:
0x33: {  	(tag) =	ssettag $0x2  }
0x34: {  	s0 =	rddreg [dreg:$0x0];
	s2 =	stileid.u32  }
0x35: {  	s1 =	rddreg [dreg:$0x1];
	p0 =	sne.s32 s2, $0x0  }
0x36: {  	s3 =	rddreg [dreg:$0x2];
	[bflag:$0x3] =	sbarrier.arrive $0xFFFF;
	s2 =	simm.s32 @!p0 $0x1C01  }
0x37: {  	[timem:s3], [sflag:s2] =	dma.local @!p0 [hbm:s0], s1  }
0x38: {  	s0 =	simm.s32 @!p0 $0x1  }
0x39: {  	_ =	swait.ge @!p0 [sflag:s0], s1  }
0x3a: {  	s1 =	ssub.s32 @!p0 $0x0, s1;
	[sflag:s0] =	ssyncset.done @!p0 $0x0  }
0x3b: {  	[sflag:s0] =	ssyncadd.s32 @!p0 s1  }
0x3c: {  	[bflag:$0x3] =	sbarrier.arrive $0xFFFF  }
0x3d: {  	_ =	shalt  }

</sc_bundles>
